<compile_context>
chip_gen: v7x
topology: tpu7x:2x2x1
jax: 0.10.2.dev20260603
libtpu: 0.0.44.dev20260713+nightly
codegen_flags: <defaults>
</compile_context>

<pallas_src>
import functools

import jax
import jax.numpy as jnp
from jax import lax
from jax.experimental import pallas as pl
from jax.experimental.pallas import tpu as pltpu
from jax.experimental.pallas import tpu_sc as plsc

NBINS = 256
NOUT = 128
NROWS = 16
ROWLEN = 1_000_000
NCORES = 2
NSUB = 16
NWORKERS = NCORES * NSUB
CHUNK = 32_768
NCB = (ROWLEN + CHUNK - 1) // CHUNK
K0 = 15
TAIL = ROWLEN - 30 * CHUNK
VPB = CHUNK // 16
VPT = TAIL // 16
XFLEN = NCB * NROWS * CHUNK


def _linz_body(x_ref, o_ref):
    for r in range(NROWS):
        o_ref[pl.ds(r * CHUNK, CHUNK)] = x_ref[r, :]


_linz = pl.pallas_call(
    _linz_body,
    grid=(NCB,),
    in_specs=[pl.BlockSpec((NROWS, CHUNK), lambda j: (0, j))],
    out_specs=pl.BlockSpec((NROWS * CHUNK,), lambda j: (j,)),
    out_shape=jax.ShapeDtypeStruct((XFLEN,), jnp.float32),
)


def _sc_body(x_hbm, hist_hbm, mm_hbm, buf_a, buf_b, hist_v, tmp_a, tmp_b,
             sh_mm, sem_a, sem_b):
    c = lax.axis_index("c")
    s = lax.axis_index("s")
    wid = c * NSUB + s
    row = wid // 2
    half = s & 1
    jbase = half * K0

    def chunk_slice(k):
        return x_hbm.at[pl.ds(((jbase + k) * NROWS + row) * CHUNK, CHUNK)]

    def tail_slice():
        return x_hbm.at[pl.ds((30 * NROWS + row) * CHUNK, TAIL)]

    def start(k, buf, sem):
        pltpu.make_async_copy(chunk_slice(k), buf, sem).start()

    def wait(k, buf, sem):
        pltpu.make_async_copy(chunk_slice(k), buf, sem).wait()

    def run_pass(process_chunk, process_tail, carry_init):
        start(0, buf_a, sem_a)
        start(1, buf_b, sem_b)

        def outer(i, carry):
            for b, (buf, sem) in enumerate(((buf_a, sem_a), (buf_b, sem_b))):
                k = 2 * i + b
                wait(k, buf, sem)
                carry = process_chunk(buf, carry)

                @pl.when(k + 2 < K0)
                def _():
                    start(k + 2, buf, sem)
            return carry

        carry = lax.fori_loop(0, (K0 - 1) // 2, outer, carry_init)
        wait(K0 - 1, buf_a, sem_a)
        pltpu.make_async_copy(
            tail_slice(), buf_b.at[pl.ds(0, TAIL)], sem_b).start()
        carry = process_chunk(buf_a, carry)
        pltpu.make_async_copy(
            tail_slice(), buf_b.at[pl.ds(0, TAIL)], sem_b).wait()
        return process_tail(buf_b, carry)

    def p1_vregs(buf, carry, nv, unroll):
        def inner(j, cr):
            mn_v, mx_v = cr
            off = j * (16 * unroll)
            for u in range(unroll):
                v = buf[pl.ds(off + u * 16, 16)]
                mn_v = jnp.minimum(mn_v, v)
                mx_v = jnp.maximum(mx_v, v)
            return (mn_v, mx_v)

        return lax.fori_loop(0, nv // unroll, inner, carry)

    big = jnp.full((16,), jnp.inf, jnp.float32)
    mn_v, mx_v = run_pass(
        lambda buf, cr: p1_vregs(buf, cr, VPB, 16),
        lambda buf, cr: p1_vregs(buf, cr, VPT, 4),
        (big, -big))

    tmp_a[...] = mn_v
    tmp_b[...] = mx_v
    pltpu.sync_copy(tmp_a, sh_mm.at[s, 0])
    pltpu.sync_copy(tmp_b, sh_mm.at[s, 1])
    plsc.subcore_barrier()
    partner = jnp.bitwise_xor(s, 1)
    pltpu.sync_copy(sh_mm.at[partner, 0], tmp_a)
    pltpu.sync_copy(sh_mm.at[partner, 1], tmp_b)
    mn_v = jnp.minimum(mn_v, tmp_a[...])
    mx_v = jnp.maximum(mx_v, tmp_b[...])

    lane = lax.iota(jnp.int32, 16)
    for sh in (8, 4, 2, 1):
        perm = jnp.bitwise_xor(lane, sh)
        tmp_a[...] = mn_v
        tmp_b[...] = mx_v
        mn_v = jnp.minimum(mn_v, plsc.load_gather(tmp_a, [perm]))
        mx_v = jnp.maximum(mx_v, plsc.load_gather(tmp_b, [perm]))
    mn_b = mn_v
    mx_b = mx_v
    scale_b = float(NBINS) / (mx_b - mn_b)

    @pl.when(half == 0)
    def _():
        mmv = jnp.where(lane == 0, mn_b, jnp.where(lane == 1, mx_b, 0.0))
        tmp_a[...] = mmv
        pltpu.sync_copy(tmp_a, mm_hbm.at[row])

    zv = jnp.zeros((16,), jnp.float32)

    def zero(i, cr):
        hist_v[i, :] = zv
        return cr

    lax.fori_loop(0, NBINS, zero, 0)

    one_v = jnp.full((16,), 1.0, jnp.float32)
    lim_v = jnp.full((16,), NBINS - 1, jnp.int32)
    zero_i = jnp.zeros((16,), jnp.int32)

    def binloop(buf, nv, unroll):
        @plsc.parallel_loop(0, nv, unroll=unroll)
        def _(i):
            v = buf[pl.ds(i * 16, 16)]
            t = (v - mn_b) * scale_b
            idx = t.astype(jnp.int32)
            idx = jnp.maximum(jnp.minimum(idx, lim_v), zero_i)
            plsc.addupdate_scatter(hist_v, [idx, lane], one_v)

    def p2_tail(buf, carry):
        @pl.when(half == 1)
        def _():
            binloop(buf, VPT, 4)

        return carry

    run_pass(lambda buf, cr: (binloop(buf, VPB, 8), cr)[1], p2_tail, 0)

    pltpu.sync_copy(hist_v, hist_hbm.at[wid])


_sc_hist = functools.partial(
    pl.kernel,
    out_type=[
        jax.ShapeDtypeStruct((NWORKERS, NBINS, 16), jnp.float32),
        jax.ShapeDtypeStruct((NROWS, 16), jnp.float32),
    ],
    mesh=plsc.VectorSubcoreMesh(
        core_axis_name="c", subcore_axis_name="s",
        num_cores=NCORES, num_subcores=NSUB),
    compiler_params=pltpu.CompilerParams(
        needs_layout_passes=False, use_tc_tiling_on_sc=False),
    scratch_types=[
        pltpu.VMEM((CHUNK,), jnp.float32),
        pltpu.VMEM((CHUNK,), jnp.float32),
        pltpu.VMEM((NBINS, 16), jnp.float32),
        pltpu.VMEM((16,), jnp.float32),
        pltpu.VMEM((16,), jnp.float32),
        pltpu.VMEM_SHARED((NSUB, 2, 16), jnp.float32),
        pltpu.SemaphoreType.DMA,
        pltpu.SemaphoreType.DMA,
    ],
)(_sc_body)


def _tc_body(hist_ref, mm_ref, wc_ref, wb_ref, b_ref, out_ref):
    h = hist_ref[...].reshape(NROWS, 2, NBINS, 16)
    counts = jnp.sum(h, axis=(1, 3))
    total = jnp.sum(counts, axis=1, keepdims=True)
    counts = counts / total
    mn = mm_ref[:, 0:1]
    mx = mm_ref[:, 1:2]
    k = lax.broadcasted_iota(jnp.int32, (NROWS, NBINS + 1), 1).astype(jnp.float32)
    bounds = mn + (mx - mn) * (k * (1.0 / NBINS))
    acc = lax.dot_general(counts, wc_ref[...], (((1,), (0,)), ((), ())),
                          preferred_element_type=jnp.float32)
    acc += lax.dot_general(bounds, wb_ref[...], (((1,), (0,)), ((), ())),
                           preferred_element_type=jnp.float32)
    out_ref[...] = acc + b_ref[...][None, :]


def _tc_linear(hist, mm, wc, wb, b):
    return pl.pallas_call(
        _tc_body,
        out_shape=jax.ShapeDtypeStruct((NROWS, NOUT), jnp.float32),
    )(hist, mm, wc, wb, b)


def kernel(x, W, b):
    xf = _linz(x)
    hist, mm = _sc_hist(xf)
    wc = W[:, :NBINS].T
    wb = W[:, NBINS:].T
    return _tc_linear(hist, mm, wc, wb, b)

# --- scband reference (transcript-rebuilt; emitter-appended) ---
"""Pipeline reference for scband-histogram-of-features-model-41566693491164 (READ-ONLY COPY).

The authoritative reference and input builder live on the scoring server;
editing this copy changes nothing except your own understanding.
"""

import jax, jax.numpy as jnp
import numpy as np

BINS = 256
OUT = 128

def _row_hist(row):
    # torch.histc semantics: equal-width bins over [min, max], value==max -> last bin
    mn = row.min()
    mx = row.max()
    scaled = (row - mn) / (mx - mn) * BINS
    idx = jnp.clip(jnp.floor(scaled).astype(jnp.int32), 0, BINS - 1)
    counts = jnp.zeros((BINS,), dtype=row.dtype).at[idx].add(1.0)
    counts = counts / jnp.sum(counts)  # density=True
    boundaries = jnp.linspace(mn, mx, BINS + 1)
    return jnp.concatenate([counts, boundaries])  # [2*BINS+1]

def setup_inputs(seed: int = 0) -> dict:
    key = jax.random.key(seed)
    k1, k2 = jax.random.split(key, 2)
    x = jax.random.normal(k1, (16, 1000000), dtype=jnp.float32)
    W = jax.random.normal(k2, (OUT, 2 * BINS + 1), dtype=jnp.float32) * 0.02
    b = jnp.zeros((OUT,), dtype=jnp.float32)
    return {"x": x, "W": W, "b": b}

def reference(x, W, b):
    # flatten(start_dim=1) is a no-op for 2D input
    hist = jax.vmap(_row_hist)(x)              # [B, 2*BINS+1]
    hist = jax.lax.stop_gradient(hist)         # torch computes histogram under no_grad
    return hist @ W.T + b                      # nn.Linear

if __name__ == "__main__":
    import jax
    _d = setup_inputs()
    print(jax.jit(kernel)(*tuple(_d.values())))

</pallas_src>

<mosaic_0001>
#map = affine_map<(d0, d1) -> (0)>
#map1 = affine_map<(d0, d1) -> (0, 0, 0)>
#map2 = affine_map<(d0, d1) -> (0, 0)>
module attributes {stable_mosaic.version = 14 : i64} {
  func.func @_sc_body(%arg0: i32, %arg1: i32, %arg2: memref<16252928xf32, #tpu.memory_space<hbm>>, %arg3: memref<32x256x16xf32, #tpu.memory_space<hbm>>, %arg4: memref<16x16xf32, #tpu.memory_space<hbm>>, %arg5: memref<32768xf32, #tpu.memory_space<vmem>>, %arg6: memref<32768xf32, #tpu.memory_space<vmem>>, %arg7: memref<256x16xf32, #tpu.memory_space<vmem>>, %arg8: memref<16xf32, #tpu.memory_space<vmem>>, %arg9: memref<16xf32, #tpu.memory_space<vmem>>, %arg10: memref<16x2x16xf32, #tpu.memory_space<vmem_shared>>, %arg11: memref<!tpu.dma_semaphore, #tpu.memory_space<semaphore_mem>>, %arg12: memref<!tpu.dma_semaphore, #tpu.memory_space<semaphore_mem>>) attributes {dimension_semantics = [#tpu.dimension_semantics<core_parallel>, #tpu.dimension_semantics<subcore_parallel>], iteration_bounds = array<i64: 2, 16>, scalar_prefetch = 0 : i64, scratch_operands = 8 : i64, tpu.core_type = #tpu.core_type<sc_vector_subcore>, window_params = [{transform_indices = #map}, {transform_indices = #map1}, {transform_indices = #map2}]} {
    %mul3A = arith.constant 16 : i32
    %mul3A_0 = arith.muli %arg0, %mul3A : i32
    %add3A = arith.addi %mul3A_0, %arg1 : i32
    %jit3A = arith.constant 2 : i32
    %div3A = arith.divsi %add3A, %jit3A : i32
    %sign3A = arith.constant 0 : i32
    %sign3A_1 = arith.cmpi sgt, %add3A, %sign3A : i32
    %sign3A_2 = arith.extui %sign3A_1 : i1 to i32
    %sign3A_3 = arith.constant 0 : i32
    %sign3A_4 = arith.cmpi slt, %add3A, %sign3A_3 : i32
    %sign3A_5 = arith.extui %sign3A_4 : i1 to i32
    %sign3A_6 = arith.subi %sign3A_2, %sign3A_5 : i32
    %sign3A_7 = arith.constant 0 : i32
    %sign3A_8 = arith.cmpi sgt, %jit3A, %sign3A_7 : i32
    %sign3A_9 = arith.extui %sign3A_8 : i1 to i32
    %sign3A_10 = arith.constant 0 : i32
    %sign3A_11 = arith.cmpi slt, %jit3A, %sign3A_10 : i32
    %sign3A_12 = arith.extui %sign3A_11 : i1 to i32
    %sign3A_13 = arith.subi %sign3A_9, %sign3A_12 : i32
    %ne3A = arith.cmpi ne, %sign3A_6, %sign3A_13 : i32
    %rem3A = arith.remsi %add3A, %jit3A : i32
    %ne3A_14 = arith.constant 0 : i32
    %ne3A_15 = arith.cmpi ne, %rem3A, %ne3A_14 : i32
    %and3A = arith.andi %ne3A, %ne3A_15 : i1
    %sub3A = arith.constant 1 : i32
    %sub3A_16 = arith.subi %div3A, %sub3A : i32
    %select_n3A = arith.select %and3A, %sub3A_16, %div3A : i32
    %and3A_17 = arith.constant 1 : i32
    %and3A_18 = arith.andi %arg1, %and3A_17 : i32
    %mul3A_19 = arith.constant 15 : i32
    %mul3A_20 = arith.muli %and3A_18, %mul3A_19 : i32
    %broadcast_in_dim3A = arith.constant 0x7F800000 : f32
    %broadcast_in_dim3A_21 = vector.broadcast %broadcast_in_dim3A : f32 to vector<16xf32>
    %neg3A = arith.constant 0.000000e+00 : f32
    %neg3A_22 = vector.broadcast %neg3A : f32 to vector<16xf32>
    %neg3A_23 = arith.subf %neg3A_22, %broadcast_in_dim3A_21 : vector<16xf32>
    %add3A_24 = arith.constant 0 : i32
    %add3A_25 = arith.addi %mul3A_20, %add3A_24 : i32
    %mul3A_26 = arith.constant 16 : i32
    %mul3A_27 = arith.muli %add3A_25, %mul3A_26 : i32
    %add3A_28 = arith.addi %mul3A_27, %select_n3A : i32
    %mul3A_29 = arith.constant 32768 : i32
    %mul3A_30 = arith.muli %add3A_28, %mul3A_29 : i32
    %dma_start3A = tpu.memref_slice %arg2[%mul3A_30] : memref<16252928xf32, #tpu.memory_space<hbm>> -> memref<32768xf32, #tpu.memory_space<hbm>>
    %dma_start3A_31 = tpu.memref_slice %arg2[%mul3A_30] : memref<16252928xf32, #tpu.memory_space<hbm>> -> memref<32768xf32, #tpu.memory_space<hbm>>
    tpu.enqueue_dma source(%dma_start3A_31 : memref<32768xf32, #tpu.memory_space<hbm>>) target(%arg5 : memref<32768xf32, #tpu.memory_space<vmem>>) target_semaphore(%arg11 : memref<!tpu.dma_semaphore, #tpu.memory_space<semaphore_mem>>)
    %add3A_32 = arith.constant 1 : i32
    %add3A_33 = arith.addi %mul3A_20, %add3A_32 : i32
    %mul3A_34 = arith.constant 16 : i32
    %mul3A_35 = arith.muli %add3A_33, %mul3A_34 : i32
    %add3A_36 = arith.addi %mul3A_35, %select_n3A : i32
    %mul3A_37 = arith.constant 32768 : i32
    %mul3A_38 = arith.muli %add3A_36, %mul3A_37 : i32
    %dma_start3A_39 = tpu.memref_slice %arg2[%mul3A_38] : memref<16252928xf32, #tpu.memory_space<hbm>> -> memref<32768xf32, #tpu.memory_space<hbm>>
    %dma_start3A_40 = tpu.memref_slice %arg2[%mul3A_38] : memref<16252928xf32, #tpu.memory_space<hbm>> -> memref<32768xf32, #tpu.memory_space<hbm>>
    tpu.enqueue_dma source(%dma_start3A_40 : memref<32768xf32, #tpu.memory_space<hbm>>) target(%arg6 : memref<32768xf32, #tpu.memory_space<vmem>>) target_semaphore(%arg12 : memref<!tpu.dma_semaphore, #tpu.memory_space<semaphore_mem>>)
    %scan3A = arith.constant 0 : i32
    %scan3A_41 = arith.constant 7 : i32
    %scan3A_42 = arith.addi %scan3A, %scan3A_41 : i32
    %scan3A_43 = arith.constant 1 : i32
    %scan3A_44:2 = scf.for %scan3A_219 = %scan3A to %scan3A_42 step %scan3A_43 iter_args(%scan3A_220 = %broadcast_in_dim3A_21, %scan3A_221 = %neg3A_23) -> (vector<16xf32>, vector<16xf32>)  : i32 {
      %mul3A_222 = arith.constant 2 : i32
      %mul3A_223 = arith.muli %mul3A_222, %scan3A_219 : i32
      %add3A_224 = arith.constant 0 : i32
      %add3A_225 = arith.addi %mul3A_223, %add3A_224 : i32
      %add3A_226 = arith.addi %mul3A_20, %add3A_225 : i32
      %mul3A_227 = arith.constant 16 : i32
      %mul3A_228 = arith.muli %add3A_226, %mul3A_227 : i32
      %add3A_229 = arith.addi %mul3A_228, %select_n3A : i32
      %mul3A_230 = arith.constant 32768 : i32
      %mul3A_231 = arith.muli %add3A_229, %mul3A_230 : i32
      %dma_wait3A_232 = tpu.memref_slice %arg2[%mul3A_231] : memref<16252928xf32, #tpu.memory_space<hbm>> -> memref<32768xf32, #tpu.memory_space<hbm>>
      %dma_wait3A_233 = tpu.memref_slice %arg2[%mul3A_231] : memref<16252928xf32, #tpu.memory_space<hbm>> -> memref<32768xf32, #tpu.memory_space<hbm>>
      tpu.wait_dma2 semaphore(%arg11 : memref<!tpu.dma_semaphore, #tpu.memory_space<semaphore_mem>>) src(%dma_wait3A_233 : memref<32768xf32, #tpu.memory_space<hbm>>) dst(%arg5 : memref<32768xf32, #tpu.memory_space<vmem>>)
      %scan3A_234 = arith.constant 0 : i32
      %scan3A_235 = arith.constant 128 : i32
      %scan3A_236 = arith.addi %scan3A_234, %scan3A_235 : i32
      %scan3A_237 = arith.constant 1 : i32
      %scan3A_238:2 = scf.for %scan3A_271 = %scan3A_234 to %scan3A_236 step %scan3A_237 iter_args(%scan3A_272 = %scan3A_220, %scan3A_273 = %scan3A_221) -> (vector<16xf32>, vector<16xf32>)  : i32 {
        %mul3A_274 = arith.constant 256 : i32
        %mul3A_275 = arith.muli %scan3A_271, %mul3A_274 : i32
        %add3A_276 = arith.constant 0 : i32
        %add3A_277 = arith.addi %mul3A_275, %add3A_276 : i32
        %get3A_278 = arith.index_cast %add3A_277 : i32 to index
        %get3A_279 = tpu.vector_load %arg5[%get3A_278] {strides = array<i32>} : memref<32768xf32, #tpu.memory_space<vmem>>, vector<16xf32>,
        %min3A_280 = arith.minimumf %scan3A_272, %get3A_279 : vector<16xf32>
        %max3A_281 = arith.maximumf %scan3A_273, %get3A_279 : vector<16xf32>
        %add3A_282 = arith.constant 16 : i32
        %add3A_283 = arith.addi %mul3A_275, %add3A_282 : i32
        %get3A_284 = arith.index_cast %add3A_283 : i32 to index
        %get3A_285 = tpu.vector_load %arg5[%get3A_284] {strides = array<i32>} : memref<32768xf32, #tpu.memory_space<vmem>>, vector<16xf32>,
        %min3A_286 = arith.minimumf %min3A_280, %get3A_285 : vector<16xf32>
        %max3A_287 = arith.maximumf %max3A_281, %get3A_285 : vector<16xf32>
        %add3A_288 = arith.constant 32 : i32
        %add3A_289 = arith.addi %mul3A_275, %add3A_288 : i32
        %get3A_290 = arith.index_cast %add3A_289 : i32 to index
        %get3A_291 = tpu.vector_load %arg5[%get3A_290] {strides = array<i32>} : memref<32768xf32, #tpu.memory_space<vmem>>, vector<16xf32>,
        %min3A_292 = arith.minimumf %min3A_286, %get3A_291 : vector<16xf32>
        %max3A_293 = arith.maximumf %max3A_287, %get3A_291 : vector<16xf32>
        %add3A_294 = arith.constant 48 : i32
        %add3A_295 = arith.addi %mul3A_275, %add3A_294 : i32
        %get3A_296 = arith.index_cast %add3A_295 : i32 to index
        %get3A_297 = tpu.vector_load %arg5[%get3A_296] {strides = array<i32>} : memref<32768xf32, #tpu.memory_space<vmem>>, vector<16xf32>,
        %min3A_298 = arith.minimumf %min3A_292, %get3A_297 : vector<16xf32>
        %max3A_299 = arith.maximumf %max3A_293, %get3A_297 : vector<16xf32>
        %add3A_300 = arith.constant 64 : i32
        %add3A_301 = arith.addi %mul3A_275, %add3A_300 : i32
        %get3A_302 = arith.index_cast %add3A_301 : i32 to index
        %get3A_303 = tpu.vector_load %arg5[%get3A_302] {strides = array<i32>} : memref<32768xf32, #tpu.memory_space<vmem>>, vector<16xf32>,
        %min3A_304 = arith.minimumf %min3A_298, %get3A_303 : vector<16xf32>
        %max3A_305 = arith.maximumf %max3A_299, %get3A_303 : vector<16xf32>
        %add3A_306 = arith.constant 80 : i32
        %add3A_307 = arith.addi %mul3A_275, %add3A_306 : i32
        %get3A_308 = arith.index_cast %add3A_307 : i32 to index
        %get3A_309 = tpu.vector_load %arg5[%get3A_308] {strides = array<i32>} : memref<32768xf32, #tpu.memory_space<vmem>>, vector<16xf32>,
        %min3A_310 = arith.minimumf %min3A_304, %get3A_309 : vector<16xf32>
        %max3A_311 = arith.maximumf %max3A_305, %get3A_309 : vector<16xf32>
        %add3A_312 = arith.constant 96 : i32
        %add3A_313 = arith.addi %mul3A_275, %add3A_312 : i32
        %get3A_314 = arith.index_cast %add3A_313 : i32 to index
        %get3A_315 = tpu.vector_load %arg5[%get3A_314] {strides = array<i32>} : memref<32768xf32, #tpu.memory_space<vmem>>, vector<16xf32>,
        %min3A_316 = arith.minimumf %min3A_310, %get3A_315 : vector<16xf32>
        %max3A_317 = arith.maximumf %max3A_311, %get3A_315 : vector<16xf32>
        %add3A_318 = arith.constant 112 : i32
        %add3A_319 = arith.addi %mul3A_275, %add3A_318 : i32
        %get3A_320 = arith.index_cast %add3A_319 : i32 to index
        %get3A_321 = tpu.vector_load %arg5[%get3A_320] {strides = array<i32>} : memref<32768xf32, #tpu.memory_space<vmem>>, vector<16xf32>,
        %min3A_322 = arith.minimumf %min3A_316, %get3A_321 : vector<16xf32>
        %max3A_323 = arith.maximumf %max3A_317, %get3A_321 : vector<16xf32>
        %add3A_324 = arith.constant 128 : i32
        %add3A_325 = arith.addi %mul3A_275, %add3A_324 : i32
        %get3A_326 = arith.index_cast %add3A_325 : i32 to index
        %get3A_327 = tpu.vector_load %arg5[%get3A_326] {strides = array<i32>} : memref<32768xf32, #tpu.memory_space<vmem>>, vector<16xf32>,
        %min3A_328 = arith.minimumf %min3A_322, %get3A_327 : vector<16xf32>
        %max3A_329 = arith.maximumf %max3A_323, %get3A_327 : vector<16xf32>
        %add3A_330 = arith.constant 144 : i32
        %add3A_331 = arith.addi %mul3A_275, %add3A_330 : i32
        %get3A_332 = arith.index_cast %add3A_331 : i32 to index
        %get3A_333 = tpu.vector_load %arg5[%get3A_332] {strides = array<i32>} : memref<32768xf32, #tpu.memory_space<vmem>>, vector<16xf32>,
        %min3A_334 = arith.minimumf %min3A_328, %get3A_333 : vector<16xf32>
        %max3A_335 = arith.maximumf %max3A_329, %get3A_333 : vector<16xf32>
        %add3A_336 = arith.constant 160 : i32
        %add3A_337 = arith.addi %mul3A_275, %add3A_336 : i32
        %get3A_338 = arith.index_cast %add3A_337 : i32 to index
        %get3A_339 = tpu.vector_load %arg5[%get3A_338] {strides = array<i32>} : memref<32768xf32, #tpu.memory_space<vmem>>, vector<16xf32>,
        %min3A_340 = arith.minimumf %min3A_334, %get3A_339 : vector<16xf32>
        %max3A_341 = arith.maximumf %max3A_335, %get3A_339 : vector<16xf32>
        %add3A_342 = arith.constant 176 : i32
        %add3A_343 = arith.addi %mul3A_275, %add3A_342 : i32
        %get3A_344 = arith.index_cast %add3A_343 : i32 to index
        %get3A_345 = tpu.vector_load %arg5[%get3A_344] {strides = array<i32>} : memref<32768xf32, #tpu.memory_space<vmem>>, vector<16xf32>,
        %min3A_346 = arith.minimumf %min3A_340, %get3A_345 : vector<16xf32>
        %max3A_347 = arith.maximumf %max3A_341, %get3A_345 : vector<16xf32>
        %add3A_348 = arith.constant 192 : i32
        %add3A_349 = arith.addi %mul3A_275, %add3A_348 : i32
        %get3A_350 = arith.index_cast %add3A_349 : i32 to index
        %get3A_351 = tpu.vector_load %arg5[%get3A_350] {strides = array<i32>} : memref<32768xf32, #tpu.memory_space<vmem>>, vector<16xf32>,
        %min3A_352 = arith.minimumf %min3A_346, %get3A_351 : vector<16xf32>
        %max3A_353 = arith.maximumf %max3A_347, %get3A_351 : vector<16xf32>
        %add3A_354 = arith.constant 208 : i32
        %add3A_355 = arith.addi %mul3A_275, %add3A_354 : i32
        %get3A_356 = arith.index_cast %add3A_355 : i32 to index
        %get3A_357 = tpu.vector_load %arg5[%get3A_356] {strides = array<i32>} : memref<32768xf32, #tpu.memory_space<vmem>>, vector<16xf32>,
        %min3A_358 = arith.minimumf %min3A_352, %get3A_357 : vector<16xf32>
        %max3A_359 = arith.maximumf %max3A_353, %get3A_357 : vector<16xf32>
        %add3A_360 = arith.constant 224 : i32
        %add3A_361 = arith.addi %mul3A_275, %add3A_360 : i32
        %get3A_362 = arith.index_cast %add3A_361 : i32 to index
        %get3A_363 = tpu.vector_load %arg5[%get3A_362] {strides = array<i32>} : memref<32768xf32, #tpu.memory_space<vmem>>, vector<16xf32>,
        %min3A_364 = arith.minimumf %min3A_358, %get3A_363 : vector<16xf32>
        %max3A_365 = arith.maximumf %max3A_359, %get3A_363 : vector<16xf32>
        %add3A_366 = arith.constant 240 : i32
        %add3A_367 = arith.addi %mul3A_275, %add3A_366 : i32
        %get3A_368 = arith.index_cast %add3A_367 : i32 to index
        %get3A_369 = tpu.vector_load %arg5[%get3A_368] {strides = array<i32>} : memref<32768xf32, #tpu.memory_space<vmem>>, vector<16xf32>,
        %min3A_370 = arith.minimumf %min3A_364, %get3A_369 : vector<16xf32>
        %max3A_371 = arith.maximumf %max3A_365, %get3A_369 : vector<16xf32>
        scf.yield %min3A_370, %max3A_371 : vector<16xf32>, vector<16xf32>
      }
      %scan3A_239 = arith.constant 128 : i32
      %add3A_240 = arith.constant 2 : i32
      %add3A_241 = arith.addi %add3A_225, %add3A_240 : i32
      %lt3A = arith.constant 15 : i32
      %lt3A_242 = arith.cmpi slt, %add3A_241, %lt3A : i32
      %convert_element_type3A_243 = arith.extui %lt3A_242 : i1 to i32
      %cond3A_244 = arith.constant 0 : i32
      %cond3A_245 = arith.cmpi ne, %convert_element_type3A_243, %cond3A_244 : i32
      scf.if %cond3A_245 {
        %add3A_271 = arith.constant 2 : i32
        %add3A_272 = arith.addi %add3A_225, %add3A_271 : i32
        %add3A_273 = arith.addi %mul3A_20, %add3A_272 : i32
        %mul3A_274 = arith.constant 16 : i32
        %mul3A_275 = arith.muli %add3A_273, %mul3A_274 : i32
        %add3A_276 = arith.addi %mul3A_275, %select_n3A : i32
        %mul3A_277 = arith.constant 32768 : i32
        %mul3A_278 = arith.muli %add3A_276, %mul3A_277 : i32
        %dma_start3A_279 = tpu.memref_slice %arg2[%mul3A_278] : memref<16252928xf32, #tpu.memory_space<hbm>> -> memref<32768xf32, #tpu.memory_space<hbm>>
        %dma_start3A_280 = tpu.memref_slice %arg2[%mul3A_278] : memref<16252928xf32, #tpu.memory_space<hbm>> -> memref<32768xf32, #tpu.memory_space<hbm>>
        tpu.enqueue_dma source(%dma_start3A_280 : memref<32768xf32, #tpu.memory_space<hbm>>) target(%arg5 : memref<32768xf32, #tpu.memory_space<vmem>>) target_semaphore(%arg11 : memref<!tpu.dma_semaphore, #tpu.memory_space<semaphore_mem>>)
      } else {
      }
      %mul3A_246 = arith.constant 2 : i32
      %mul3A_247 = arith.muli %mul3A_246, %scan3A_219 : i32
      %add3A_248 = arith.constant 1 : i32
      %add3A_249 = arith.addi %mul3A_247, %add3A_248 : i32
      %add3A_250 = arith.addi %mul3A_20, %add3A_249 : i32
      %mul3A_251 = arith.constant 16 : i32
      %mul3A_252 = arith.muli %add3A_250, %mul3A_251 : i32
      %add3A_253 = arith.addi %mul3A_252, %select_n3A : i32
      %mul3A_254 = arith.constant 32768 : i32
      %mul3A_255 = arith.muli %add3A_253, %mul3A_254 : i32
      %dma_wait3A_256 = tpu.memref_slice %arg2[%mul3A_255] : memref<16252928xf32, #tpu.memory_space<hbm>> -> memref<32768xf32, #tpu.memory_space<hbm>>
      %dma_wait3A_257 = tpu.memref_slice %arg2[%mul3A_255] : memref<16252928xf32, #tpu.memory_space<hbm>> -> memref<32768xf32, #tpu.memory_space<hbm>>
      tpu.wait_dma2 semaphore(%arg12 : memref<!tpu.dma_semaphore, #tpu.memory_space<semaphore_mem>>) src(%dma_wait3A_257 : memref<32768xf32, #tpu.memory_space<hbm>>) dst(%arg6 : memref<32768xf32, #tpu.memory_space<vmem>>)
      %scan3A_258 = arith.constant 0 : i32
      %scan3A_259 = arith.constant 128 : i32
      %scan3A_260 = arith.addi %scan3A_258, %scan3A_259 : i32
      %scan3A_261 = arith.constant 1 : i32
      %scan3A_262:2 = scf.for %scan3A_271 = %scan3A_258 to %scan3A_260 step %scan3A_261 iter_args(%scan3A_272 = %scan3A_238#0, %scan3A_273 = %scan3A_238#1) -> (vector<16xf32>, vector<16xf32>)  : i32 {
        %mul3A_274 = arith.constant 256 : i32
        %mul3A_275 = arith.muli %scan3A_271, %mul3A_274 : i32
        %add3A_276 = arith.constant 0 : i32
        %add3A_277 = arith.addi %mul3A_275, %add3A_276 : i32
        %get3A_278 = arith.index_cast %add3A_277 : i32 to index
        %get3A_279 = tpu.vector_load %arg6[%get3A_278] {strides = array<i32>} : memref<32768xf32, #tpu.memory_space<vmem>>, vector<16xf32>,
        %min3A_280 = arith.minimumf %scan3A_272, %get3A_279 : vector<16xf32>
        %max3A_281 = arith.maximumf %scan3A_273, %get3A_279 : vector<16xf32>
        %add3A_282 = arith.constant 16 : i32
        %add3A_283 = arith.addi %mul3A_275, %add3A_282 : i32
        %get3A_284 = arith.index_cast %add3A_283 : i32 to index
        %get3A_285 = tpu.vector_load %arg6[%get3A_284] {strides = array<i32>} : memref<32768xf32, #tpu.memory_space<vmem>>, vector<16xf32>,
        %min3A_286 = arith.minimumf %min3A_280, %get3A_285 : vector<16xf32>
        %max3A_287 = arith.maximumf %max3A_281, %get3A_285 : vector<16xf32>
        %add3A_288 = arith.constant 32 : i32
        %add3A_289 = arith.addi %mul3A_275, %add3A_288 : i32
        %get3A_290 = arith.index_cast %add3A_289 : i32 to index
        %get3A_291 = tpu.vector_load %arg6[%get3A_290] {strides = array<i32>} : memref<32768xf32, #tpu.memory_space<vmem>>, vector<16xf32>,
        %min3A_292 = arith.minimumf %min3A_286, %get3A_291 : vector<16xf32>
        %max3A_293 = arith.maximumf %max3A_287, %get3A_291 : vector<16xf32>
        %add3A_294 = arith.constant 48 : i32
        %add3A_295 = arith.addi %mul3A_275, %add3A_294 : i32
        %get3A_296 = arith.index_cast %add3A_295 : i32 to index
        %get3A_297 = tpu.vector_load %arg6[%get3A_296] {strides = array<i32>} : memref<32768xf32, #tpu.memory_space<vmem>>, vector<16xf32>,
        %min3A_298 = arith.minimumf %min3A_292, %get3A_297 : vector<16xf32>
        %max3A_299 = arith.maximumf %max3A_293, %get3A_297 : vector<16xf32>
        %add3A_300 = arith.constant 64 : i32
        %add3A_301 = arith.addi %mul3A_275, %add3A_300 : i32
        %get3A_302 = arith.index_cast %add3A_301 : i32 to index
        %get3A_303 = tpu.vector_load %arg6[%get3A_302] {strides = array<i32>} : memref<32768xf32, #tpu.memory_space<vmem>>, vector<16xf32>,
        %min3A_304 = arith.minimumf %min3A_298, %get3A_303 : vector<16xf32>
        %max3A_305 = arith.maximumf %max3A_299, %get3A_303 : vector<16xf32>
        %add3A_306 = arith.constant 80 : i32
        %add3A_307 = arith.addi %mul3A_275, %add3A_306 : i32
        %get3A_308 = arith.index_cast %add3A_307 : i32 to index
        %get3A_309 = tpu.vector_load %arg6[%get3A_308] {strides = array<i32>} : memref<32768xf32, #tpu.memory_space<vmem>>, vector<16xf32>,
        %min3A_310 = arith.minimumf %min3A_304, %get3A_309 : vector<16xf32>
        %max3A_311 = arith.maximumf %max3A_305, %get3A_309 : vector<16xf32>
        %add3A_312 = arith.constant 96 : i32
        %add3A_313 = arith.addi %mul3A_275, %add3A_312 : i32
        %get3A_314 = arith.index_cast %add3A_313 : i32 to index
        %get3A_315 = tpu.vector_load %arg6[%get3A_314] {strides = array<i32>} : memref<32768xf32, #tpu.memory_space<vmem>>, vector<16xf32>,
        %min3A_316 = arith.minimumf %min3A_310, %get3A_315 : vector<16xf32>
        %max3A_317 = arith.maximumf %max3A_311, %get3A_315 : vector<16xf32>
        %add3A_318 = arith.constant 112 : i32
        %add3A_319 = arith.addi %mul3A_275, %add3A_318 : i32
        %get3A_320 = arith.index_cast %add3A_319 : i32 to index
        %get3A_321 = tpu.vector_load %arg6[%get3A_320] {strides = array<i32>} : memref<32768xf32, #tpu.memory_space<vmem>>, vector<16xf32>,
        %min3A_322 = arith.minimumf %min3A_316, %get3A_321 : vector<16xf32>
        %max3A_323 = arith.maximumf %max3A_317, %get3A_321 : vector<16xf32>
        %add3A_324 = arith.constant 128 : i32
        %add3A_325 = arith.addi %mul3A_275, %add3A_324 : i32
        %get3A_326 = arith.index_cast %add3A_325 : i32 to index
        %get3A_327 = tpu.vector_load %arg6[%get3A_326] {strides = array<i32>} : memref<32768xf32, #tpu.memory_space<vmem>>, vector<16xf32>,
        %min3A_328 = arith.minimumf %min3A_322, %get3A_327 : vector<16xf32>
        %max3A_329 = arith.maximumf %max3A_323, %get3A_327 : vector<16xf32>
        %add3A_330 = arith.constant 144 : i32
        %add3A_331 = arith.addi %mul3A_275, %add3A_330 : i32
        %get3A_332 = arith.index_cast %add3A_331 : i32 to index
        %get3A_333 = tpu.vector_load %arg6[%get3A_332] {strides = array<i32>} : memref<32768xf32, #tpu.memory_space<vmem>>, vector<16xf32>,
        %min3A_334 = arith.minimumf %min3A_328, %get3A_333 : vector<16xf32>
        %max3A_335 = arith.maximumf %max3A_329, %get3A_333 : vector<16xf32>
        %add3A_336 = arith.constant 160 : i32
        %add3A_337 = arith.addi %mul3A_275, %add3A_336 : i32
        %get3A_338 = arith.index_cast %add3A_337 : i32 to index
        %get3A_339 = tpu.vector_load %arg6[%get3A_338] {strides = array<i32>} : memref<32768xf32, #tpu.memory_space<vmem>>, vector<16xf32>,
        %min3A_340 = arith.minimumf %min3A_334, %get3A_339 : vector<16xf32>
        %max3A_341 = arith.maximumf %max3A_335, %get3A_339 : vector<16xf32>
        %add3A_342 = arith.constant 176 : i32
        %add3A_343 = arith.addi %mul3A_275, %add3A_342 : i32
        %get3A_344 = arith.index_cast %add3A_343 : i32 to index
        %get3A_345 = tpu.vector_load %arg6[%get3A_344] {strides = array<i32>} : memref<32768xf32, #tpu.memory_space<vmem>>, vector<16xf32>,
        %min3A_346 = arith.minimumf %min3A_340, %get3A_345 : vector<16xf32>
        %max3A_347 = arith.maximumf %max3A_341, %get3A_345 : vector<16xf32>
        %add3A_348 = arith.constant 192 : i32
        %add3A_349 = arith.addi %mul3A_275, %add3A_348 : i32
        %get3A_350 = arith.index_cast %add3A_349 : i32 to index
        %get3A_351 = tpu.vector_load %arg6[%get3A_350] {strides = array<i32>} : memref<32768xf32, #tpu.memory_space<vmem>>, vector<16xf32>,
        %min3A_352 = arith.minimumf %min3A_346, %get3A_351 : vector<16xf32>
        %max3A_353 = arith.maximumf %max3A_347, %get3A_351 : vector<16xf32>
        %add3A_354 = arith.constant 208 : i32
        %add3A_355 = arith.addi %mul3A_275, %add3A_354 : i32
        %get3A_356 = arith.index_cast %add3A_355 : i32 to index
        %get3A_357 = tpu.vector_load %arg6[%get3A_356] {strides = array<i32>} : memref<32768xf32, #tpu.memory_space<vmem>>, vector<16xf32>,
        %min3A_358 = arith.minimumf %min3A_352, %get3A_357 : vector<16xf32>
        %max3A_359 = arith.maximumf %max3A_353, %get3A_357 : vector<16xf32>
        %add3A_360 = arith.constant 224 : i32
        %add3A_361 = arith.addi %mul3A_275, %add3A_360 : i32
        %get3A_362 = arith.index_cast %add3A_361 : i32 to index
        %get3A_363 = tpu.vector_load %arg6[%get3A_362] {strides = array<i32>} : memref<32768xf32, #tpu.memory_space<vmem>>, vector<16xf32>,
        %min3A_364 = arith.minimumf %min3A_358, %get3A_363 : vector<16xf32>
        %max3A_365 = arith.maximumf %max3A_359, %get3A_363 : vector<16xf32>
        %add3A_366 = arith.constant 240 : i32
        %add3A_367 = arith.addi %mul3A_275, %add3A_366 : i32
        %get3A_368 = arith.index_cast %add3A_367 : i32 to index
        %get3A_369 = tpu.vector_load %arg6[%get3A_368] {strides = array<i32>} : memref<32768xf32, #tpu.memory_space<vmem>>, vector<16xf32>,
        %min3A_370 = arith.minimumf %min3A_364, %get3A_369 : vector<16xf32>
        %max3A_371 = arith.maximumf %max3A_365, %get3A_369 : vector<16xf32>
        scf.yield %min3A_370, %max3A_371 : vector<16xf32>, vector<16xf32>
      }
      %scan3A_263 = arith.constant 128 : i32
      %add3A_264 = arith.constant 2 : i32
      %add3A_265 = arith.addi %add3A_249, %add3A_264 : i32
      %lt3A_266 = arith.constant 15 : i32
      %lt3A_267 = arith.cmpi slt, %add3A_265, %lt3A_266 : i32
      %convert_element_type3A_268 = arith.extui %lt3A_267 : i1 to i32
      %cond3A_269 = arith.constant 0 : i32
      %cond3A_270 = arith.cmpi ne, %convert_element_type3A_268, %cond3A_269 : i32
      scf.if %cond3A_270 {
        %add3A_271 = arith.constant 2 : i32
        %add3A_272 = arith.addi %add3A_249, %add3A_271 : i32
        %add3A_273 = arith.addi %mul3A_20, %add3A_272 : i32
        %mul3A_274 = arith.constant 16 : i32
        %mul3A_275 = arith.muli %add3A_273, %mul3A_274 : i32
        %add3A_276 = arith.addi %mul3A_275, %select_n3A : i32
        %mul3A_277 = arith.constant 32768 : i32
        %mul3A_278 = arith.muli %add3A_276, %mul3A_277 : i32
        %dma_start3A_279 = tpu.memref_slice %arg2[%mul3A_278] : memref<16252928xf32, #tpu.memory_space<hbm>> -> memref<32768xf32, #tpu.memory_space<hbm>>
        %dma_start3A_280 = tpu.memref_slice %arg2[%mul3A_278] : memref<16252928xf32, #tpu.memory_space<hbm>> -> memref<32768xf32, #tpu.memory_space<hbm>>
        tpu.enqueue_dma source(%dma_start3A_280 : memref<32768xf32, #tpu.memory_space<hbm>>) target(%arg6 : memref<32768xf32, #tpu.memory_space<vmem>>) target_semaphore(%arg12 : memref<!tpu.dma_semaphore, #tpu.memory_space<semaphore_mem>>)
      } else {
      }
      scf.yield %scan3A_262#0, %scan3A_262#1 : vector<16xf32>, vector<16xf32>
    }
    %scan3A_45 = arith.constant 7 : i32
    %add3A_46 = arith.constant 14 : i32
    %add3A_47 = arith.addi %mul3A_20, %add3A_46 : i32
    %mul3A_48 = arith.constant 16 : i32
    %mul3A_49 = arith.muli %add3A_47, %mul3A_48 : i32
    %add3A_50 = arith.addi %mul3A_49, %select_n3A : i32
    %mul3A_51 = arith.constant 32768 : i32
    %mul3A_52 = arith.muli %add3A_50, %mul3A_51 : i32
    %dma_wait3A = tpu.memref_slice %arg2[%mul3A_52] : memref<16252928xf32, #tpu.memory_space<hbm>> -> memref<32768xf32, #tpu.memory_space<hbm>>
    %dma_wait3A_53 = tpu.memref_slice %arg2[%mul3A_52] : memref<16252928xf32, #tpu.memory_space<hbm>> -> memref<32768xf32, #tpu.memory_space<hbm>>
    tpu.wait_dma2 semaphore(%arg11 : memref<!tpu.dma_semaphore, #tpu.memory_space<semaphore_mem>>) src(%dma_wait3A_53 : memref<32768xf32, #tpu.memory_space<hbm>>) dst(%arg5 : memref<32768xf32, #tpu.memory_space<vmem>>)
    %add3A_54 = arith.constant 480 : i32
    %add3A_55 = arith.addi %add3A_54, %select_n3A : i32
    %mul3A_56 = arith.constant 32768 : i32
    %mul3A_57 = arith.muli %add3A_55, %mul3A_56 : i32
    %dma_start3A_58 = arith.constant 0 : i32
    %dma_start3A_59 = tpu.memref_slice %arg6[%dma_start3A_58] : memref<32768xf32, #tpu.memory_space<vmem>> -> memref<16960xf32, #tpu.memory_space<vmem>>
    %dma_start3A_60 = tpu.memref_slice %arg2[%mul3A_57] : memref<16252928xf32, #tpu.memory_space<hbm>> -> memref<16960xf32, #tpu.memory_space<hbm>>
    %dma_start3A_61 = arith.constant 0 : i32
    %dma_start3A_62 = tpu.memref_slice %arg6[%dma_start3A_61] : memref<32768xf32, #tpu.memory_space<vmem>> -> memref<16960xf32, #tpu.memory_space<vmem>>
    %dma_start3A_63 = tpu.memref_slice %arg2[%mul3A_57] : memref<16252928xf32, #tpu.memory_space<hbm>> -> memref<16960xf32, #tpu.memory_space<hbm>>
    tpu.enqueue_dma source(%dma_start3A_63 : memref<16960xf32, #tpu.memory_space<hbm>>) target(%dma_start3A_62 : memref<16960xf32, #tpu.memory_space<vmem>>) target_semaphore(%arg12 : memref<!tpu.dma_semaphore, #tpu.memory_space<semaphore_mem>>)
    %scan3A_64 = arith.constant 0 : i32
    %scan3A_65 = arith.constant 128 : i32
    %scan3A_66 = arith.addi %scan3A_64, %scan3A_65 : i32
    %scan3A_67 = arith.constant 1 : i32
    %scan3A_68:2 = scf.for %scan3A_219 = %scan3A_64 to %scan3A_66 step %scan3A_67 iter_args(%scan3A_220 = %scan3A_44#0, %scan3A_221 = %scan3A_44#1) -> (vector<16xf32>, vector<16xf32>)  : i32 {
      %mul3A_222 = arith.constant 256 : i32
      %mul3A_223 = arith.muli %scan3A_219, %mul3A_222 : i32
      %add3A_224 = arith.constant 0 : i32
      %add3A_225 = arith.addi %mul3A_223, %add3A_224 : i32
      %get3A_226 = arith.index_cast %add3A_225 : i32 to index
      %get3A_227 = tpu.vector_load %arg5[%get3A_226] {strides = array<i32>} : memref<32768xf32, #tpu.memory_space<vmem>>, vector<16xf32>,
      %min3A_228 = arith.minimumf %scan3A_220, %get3A_227 : vector<16xf32>
      %max3A_229 = arith.maximumf %scan3A_221, %get3A_227 : vector<16xf32>
      %add3A_230 = arith.constant 16 : i32
      %add3A_231 = arith.addi %mul3A_223, %add3A_230 : i32
      %get3A_232 = arith.index_cast %add3A_231 : i32 to index
      %get3A_233 = tpu.vector_load %arg5[%get3A_232] {strides = array<i32>} : memref<32768xf32, #tpu.memory_space<vmem>>, vector<16xf32>,
      %min3A_234 = arith.minimumf %min3A_228, %get3A_233 : vector<16xf32>
      %max3A_235 = arith.maximumf %max3A_229, %get3A_233 : vector<16xf32>
      %add3A_236 = arith.constant 32 : i32
      %add3A_237 = arith.addi %mul3A_223, %add3A_236 : i32
      %get3A_238 = arith.index_cast %add3A_237 : i32 to index
      %get3A_239 = tpu.vector_load %arg5[%get3A_238] {strides = array<i32>} : memref<32768xf32, #tpu.memory_space<vmem>>, vector<16xf32>,
      %min3A_240 = arith.minimumf %min3A_234, %get3A_239 : vector<16xf32>
      %max3A_241 = arith.maximumf %max3A_235, %get3A_239 : vector<16xf32>
      %add3A_242 = arith.constant 48 : i32
      %add3A_243 = arith.addi %mul3A_223, %add3A_242 : i32
      %get3A_244 = arith.index_cast %add3A_243 : i32 to index
      %get3A_245 = tpu.vector_load %arg5[%get3A_244] {strides = array<i32>} : memref<32768xf32, #tpu.memory_space<vmem>>, vector<16xf32>,
      %min3A_246 = arith.minimumf %min3A_240, %get3A_245 : vector<16xf32>
      %max3A_247 = arith.maximumf %max3A_241, %get3A_245 : vector<16xf32>
      %add3A_248 = arith.constant 64 : i32
      %add3A_249 = arith.addi %mul3A_223, %add3A_248 : i32
      %get3A_250 = arith.index_cast %add3A_249 : i32 to index
      %get3A_251 = tpu.vector_load %arg5[%get3A_250] {strides = array<i32>} : memref<32768xf32, #tpu.memory_space<vmem>>, vector<16xf32>,
      %min3A_252 = arith.minimumf %min3A_246, %get3A_251 : vector<16xf32>
      %max3A_253 = arith.maximumf %max3A_247, %get3A_251 : vector<16xf32>
      %add3A_254 = arith.constant 80 : i32
      %add3A_255 = arith.addi %mul3A_223, %add3A_254 : i32
      %get3A_256 = arith.index_cast %add3A_255 : i32 to index
      %get3A_257 = tpu.vector_load %arg5[%get3A_256] {strides = array<i32>} : memref<32768xf32, #tpu.memory_space<vmem>>, vector<16xf32>,
      %min3A_258 = arith.minimumf %min3A_252, %get3A_257 : vector<16xf32>
      %max3A_259 = arith.maximumf %max3A_253, %get3A_257 : vector<16xf32>
      %add3A_260 = arith.constant 96 : i32
      %add3A_261 = arith.addi %mul3A_223, %add3A_260 : i32
      %get3A_262 = arith.index_cast %add3A_261 : i32 to index
      %get3A_263 = tpu.vector_load %arg5[%get3A_262] {strides = array<i32>} : memref<32768xf32, #tpu.memory_space<vmem>>, vector<16xf32>,
      %min3A_264 = arith.minimumf %min3A_258, %get3A_263 : vector<16xf32>
      %max3A_265 = arith.maximumf %max3A_259, %get3A_263 : vector<16xf32>
      %add3A_266 = arith.constant 112 : i32
      %add3A_267 = arith.addi %mul3A_223, %add3A_266 : i32
      %get3A_268 = arith.index_cast %add3A_267 : i32 to index
      %get3A_269 = tpu.vector_load %arg5[%get3A_268] {strides = array<i32>} : memref<32768xf32, #tpu.memory_space<vmem>>, vector<16xf32>,
      %min3A_270 = arith.minimumf %min3A_264, %get3A_269 : vector<16xf32>
      %max3A_271 = arith.maximumf %max3A_265, %get3A_269 : vector<16xf32>
      %add3A_272 = arith.constant 128 : i32
      %add3A_273 = arith.addi %mul3A_223, %add3A_272 : i32
      %get3A_274 = arith.index_cast %add3A_273 : i32 to index
      %get3A_275 = tpu.vector_load %arg5[%get3A_274] {strides = array<i32>} : memref<32768xf32, #tpu.memory_space<vmem>>, vector<16xf32>,
      %min3A_276 = arith.minimumf %min3A_270, %get3A_275 : vector<16xf32>
      %max3A_277 = arith.maximumf %max3A_271, %get3A_275 : vector<16xf32>
      %add3A_278 = arith.constant 144 : i32
      %add3A_279 = arith.addi %mul3A_223, %add3A_278 : i32
      %get3A_280 = arith.index_cast %add3A_279 : i32 to index
      %get3A_281 = tpu.vector_load %arg5[%get3A_280] {strides = array<i32>} : memref<32768xf32, #tpu.memory_space<vmem>>, vector<16xf32>,
      %min3A_282 = arith.minimumf %min3A_276, %get3A_281 : vector<16xf32>
      %max3A_283 = arith.maximumf %max3A_277, %get3A_281 : vector<16xf32>
      %add3A_284 = arith.constant 160 : i32
      %add3A_285 = arith.addi %mul3A_223, %add3A_284 : i32
      %get3A_286 = arith.index_cast %add3A_285 : i32 to index
      %get3A_287 = tpu.vector_load %arg5[%get3A_286] {strides = array<i32>} : memref<32768xf32, #tpu.memory_space<vmem>>, vector<16xf32>,
      %min3A_288 = arith.minimumf %min3A_282, %get3A_287 : vector<16xf32>
      %max3A_289 = arith.maximumf %max3A_283, %get3A_287 : vector<16xf32>
      %add3A_290 = arith.constant 176 : i32
      %add3A_291 = arith.addi %mul3A_223, %add3A_290 : i32
      %get3A_292 = arith.index_cast %add3A_291 : i32 to index
      %get3A_293 = tpu.vector_load %arg5[%get3A_292] {strides = array<i32>} : memref<32768xf32, #tpu.memory_space<vmem>>, vector<16xf32>,
      %min3A_294 = arith.minimumf %min3A_288, %get3A_293 : vector<16xf32>
      %max3A_295 = arith.maximumf %max3A_289, %get3A_293 : vector<16xf32>
      %add3A_296 = arith.constant 192 : i32
      %add3A_297 = arith.addi %mul3A_223, %add3A_296 : i32
      %get3A_298 = arith.index_cast %add3A_297 : i32 to index
      %get3A_299 = tpu.vector_load %arg5[%get3A_298] {strides = array<i32>} : memref<32768xf32, #tpu.memory_space<vmem>>, vector<16xf32>,
      %min3A_300 = arith.minimumf %min3A_294, %get3A_299 : vector<16xf32>
      %max3A_301 = arith.maximumf %max3A_295, %get3A_299 : vector<16xf32>
      %add3A_302 = arith.constant 208 : i32
      %add3A_303 = arith.addi %mul3A_223, %add3A_302 : i32
      %get3A_304 = arith.index_cast %add3A_303 : i32 to index
      %get3A_305 = tpu.vector_load %arg5[%get3A_304] {strides = array<i32>} : memref<32768xf32, #tpu.memory_space<vmem>>, vector<16xf32>,
      %min3A_306 = arith.minimumf %min3A_300, %get3A_305 : vector<16xf32>
      %max3A_307 = arith.maximumf %max3A_301, %get3A_305 : vector<16xf32>
      %add3A_308 = arith.constant 224 : i32
      %add3A_309 = arith.addi %mul3A_223, %add3A_308 : i32
      %get3A_310 = arith.index_cast %add3A_309 : i32 to index
      %get3A_311 = tpu.vector_load %arg5[%get3A_310] {strides = array<i32>} : memref<32768xf32, #tpu.memory_space<vmem>>, vector<16xf32>,
      %min3A_312 = arith.minimumf %min3A_306, %get3A_311 : vector<16xf32>
      %max3A_313 = arith.maximumf %max3A_307, %get3A_311 : vector<16xf32>
      %add3A_314 = arith.constant 240 : i32
      %add3A_315 = arith.addi %mul3A_223, %add3A_314 : i32
      %get3A_316 = arith.index_cast %add3A_315 : i32 to index
      %get3A_317 = tpu.vector_load %arg5[%get3A_316] {strides = array<i32>} : memref<32768xf32, #tpu.memory_space<vmem>>, vector<16xf32>,
      %min3A_318 = arith.minimumf %min3A_312, %get3A_317 : vector<16xf32>
      %max3A_319 = arith.maximumf %max3A_313, %get3A_317 : vector<16xf32>
      scf.yield %min3A_318, %max3A_319 : vector<16xf32>, vector<16xf32>
    }
    %scan3A_69 = arith.constant 128 : i32
    %add3A_70 = arith.constant 480 : i32
    %add3A_71 = arith.addi %add3A_70, %select_n3A : i32
    %mul3A_72 = arith.constant 32768 : i32
    %mul3A_73 = arith.muli %add3A_71, %mul3A_72 : i32
    %dma_wait3A_74 = arith.constant 0 : i32
    %dma_wait3A_75 = tpu.memref_slice %arg6[%dma_wait3A_74] : memref<32768xf32, #tpu.memory_space<vmem>> -> memref<16960xf32, #tpu.memory_space<vmem>>
    %dma_wait3A_76 = tpu.memref_slice %arg2[%mul3A_73] : memref<16252928xf32, #tpu.memory_space<hbm>> -> memref<16960xf32, #tpu.memory_space<hbm>>
    %dma_wait3A_77 = arith.constant 0 : i32
    %dma_wait3A_78 = tpu.memref_slice %arg6[%dma_wait3A_77] : memref<32768xf32, #tpu.memory_space<vmem>> -> memref<16960xf32, #tpu.memory_space<vmem>>
    %dma_wait3A_79 = tpu.memref_slice %arg2[%mul3A_73] : memref<16252928xf32, #tpu.memory_space<hbm>> -> memref<16960xf32, #tpu.memory_space<hbm>>
    tpu.wait_dma2 semaphore(%arg12 : memref<!tpu.dma_semaphore, #tpu.memory_space<semaphore_mem>>) src(%dma_wait3A_79 : memref<16960xf32, #tpu.memory_space<hbm>>) dst(%dma_wait3A_78 : memref<16960xf32, #tpu.memory_space<vmem>>)
    %scan3A_80 = arith.constant 0 : i32
    %scan3A_81 = arith.constant 265 : i32
    %scan3A_82 = arith.addi %scan3A_80, %scan3A_81 : i32
    %scan3A_83 = arith.constant 1 : i32
    %scan3A_84:2 = scf.for %scan3A_219 = %scan3A_80 to %scan3A_82 step %scan3A_83 iter_args(%scan3A_220 = %scan3A_68#0, %scan3A_221 = %scan3A_68#1) -> (vector<16xf32>, vector<16xf32>)  : i32 {
      %mul3A_222 = arith.constant 64 : i32
      %mul3A_223 = arith.muli %scan3A_219, %mul3A_222 : i32
      %add3A_224 = arith.constant 0 : i32
      %add3A_225 = arith.addi %mul3A_223, %add3A_224 : i32
      %get3A_226 = arith.index_cast %add3A_225 : i32 to index
      %get3A_227 = tpu.vector_load %arg6[%get3A_226] {strides = array<i32>} : memref<32768xf32, #tpu.memory_space<vmem>>, vector<16xf32>,
      %min3A_228 = arith.minimumf %scan3A_220, %get3A_227 : vector<16xf32>
      %max3A_229 = arith.maximumf %scan3A_221, %get3A_227 : vector<16xf32>
      %add3A_230 = arith.constant 16 : i32
      %add3A_231 = arith.addi %mul3A_223, %add3A_230 : i32
      %get3A_232 = arith.index_cast %add3A_231 : i32 to index
      %get3A_233 = tpu.vector_load %arg6[%get3A_232] {strides = array<i32>} : memref<32768xf32, #tpu.memory_space<vmem>>, vector<16xf32>,
      %min3A_234 = arith.minimumf %min3A_228, %get3A_233 : vector<16xf32>
      %max3A_235 = arith.maximumf %max3A_229, %get3A_233 : vector<16xf32>
      %add3A_236 = arith.constant 32 : i32
      %add3A_237 = arith.addi %mul3A_223, %add3A_236 : i32
      %get3A_238 = arith.index_cast %add3A_237 : i32 to index
      %get3A_239 = tpu.vector_load %arg6[%get3A_238] {strides = array<i32>} : memref<32768xf32, #tpu.memory_space<vmem>>, vector<16xf32>,
      %min3A_240 = arith.minimumf %min3A_234, %get3A_239 : vector<16xf32>
      %max3A_241 = arith.maximumf %max3A_235, %get3A_239 : vector<16xf32>
      %add3A_242 = arith.constant 48 : i32
      %add3A_243 = arith.addi %mul3A_223, %add3A_242 : i32
      %get3A_244 = arith.index_cast %add3A_243 : i32 to index
      %get3A_245 = tpu.vector_load %arg6[%get3A_244] {strides = array<i32>} : memref<32768xf32, #tpu.memory_space<vmem>>, vector<16xf32>,
      %min3A_246 = arith.minimumf %min3A_240, %get3A_245 : vector<16xf32>
      %max3A_247 = arith.maximumf %max3A_241, %get3A_245 : vector<16xf32>
      scf.yield %min3A_246, %max3A_247 : vector<16xf32>, vector<16xf32>
    }
    %scan3A_85 = arith.constant 265 : i32
    %swap3A = arith.constant 0 : index
    %swap3A_86 = tpu.vector_load %arg8[%swap3A] {strides = array<i32>} : memref<16xf32, #tpu.memory_space<vmem>>, vector<16xf32>,
    tpu.vector_store %arg8[%swap3A], %scan3A_84#0 {strides = array<i32>} : memref<16xf32, #tpu.memory_space<vmem>>, vector<16xf32>,
    %swap3A_87 = arith.constant 0 : index
    %swap3A_88 = tpu.vector_load %arg9[%swap3A_87] {strides = array<i32>} : memref<16xf32, #tpu.memory_space<vmem>>, vector<16xf32>,
    tpu.vector_store %arg9[%swap3A_87], %scan3A_84#1 {strides = array<i32>} : memref<16xf32, #tpu.memory_space<vmem>>, vector<16xf32>,
    %run_scoped3A = arith.constant 0 : i32
    "tpu.region"() ({
      %run_scoped3A_219 = tpu.sem_alloc : memref<!tpu.dma_semaphore, #tpu.memory_space<semaphore_mem>>
      %dma_start3A_220 = arith.constant 0 : i32
      %dma_start3A_221 = tpu.memref_slice %arg10[%arg1, %run_scoped3A, %dma_start3A_220] : memref<16x2x16xf32, #tpu.memory_space<vmem_shared>> -> memref<1x1x16xf32, #tpu.memory_space<vmem_shared>>
      %dma_start3A_222 = tpu.memref_squeeze %dma_start3A_221 : memref<1x1x16xf32, #tpu.memory_space<vmem_shared>> -> memref<16xf32, #tpu.memory_space<vmem_shared>>
      %dma_start3A_223 = arith.constant 0 : i32
      %dma_start3A_224 = tpu.memref_slice %arg10[%arg1, %run_scoped3A, %dma_start3A_223] : memref<16x2x16xf32, #tpu.memory_space<vmem_shared>> -> memref<1x1x16xf32, #tpu.memory_space<vmem_shared>>
      %dma_start3A_225 = tpu.memref_squeeze %dma_start3A_224 : memref<1x1x16xf32, #tpu.memory_space<vmem_shared>> -> memref<16xf32, #tpu.memory_space<vmem_shared>>
      tpu.enqueue_dma source(%arg8 : memref<16xf32, #tpu.memory_space<vmem>>) target(%dma_start3A_225 : memref<16xf32, #tpu.memory_space<vmem_shared>>) target_semaphore(%run_scoped3A_219 : memref<!tpu.dma_semaphore, #tpu.memory_space<semaphore_mem>>)
      %dma_wait3A_226 = arith.constant 0 : i32
      %dma_wait3A_227 = tpu.memref_slice %arg10[%arg1, %run_scoped3A, %dma_wait3A_226] : memref<16x2x16xf32, #tpu.memory_space<vmem_shared>> -> memref<1x1x16xf32, #tpu.memory_space<vmem_shared>>
      %dma_wait3A_228 = tpu.memref_squeeze %dma_wait3A_227 : memref<1x1x16xf32, #tpu.memory_space<vmem_shared>> -> memref<16xf32, #tpu.memory_space<vmem_shared>>
      %dma_wait3A_229 = arith.constant 0 : i32
      %dma_wait3A_230 = tpu.memref_slice %arg10[%arg1, %run_scoped3A, %dma_wait3A_229] : memref<16x2x16xf32, #tpu.memory_space<vmem_shared>> -> memref<1x1x16xf32, #tpu.memory_space<vmem_shared>>
      %dma_wait3A_231 = tpu.memref_squeeze %dma_wait3A_230 : memref<1x1x16xf32, #tpu.memory_space<vmem_shared>> -> memref<16xf32, #tpu.memory_space<vmem_shared>>
      tpu.wait_dma2 semaphore(%run_scoped3A_219 : memref<!tpu.dma_semaphore, #tpu.memory_space<semaphore_mem>>) src(%arg8 : memref<16xf32, #tpu.memory_space<vmem>>) dst(%dma_wait3A_231 : memref<16xf32, #tpu.memory_space<vmem_shared>>)
      tpu.yield
    }) : () -> ()
    %run_scoped3A_89 = arith.constant 1 : i32
    "tpu.region"() ({
      %run_scoped3A_219 = tpu.sem_alloc : memref<!tpu.dma_semaphore, #tpu.memory_space<semaphore_mem>>
      %dma_start3A_220 = arith.constant 0 : i32
      %dma_start3A_221 = tpu.memref_slice %arg10[%arg1, %run_scoped3A_89, %dma_start3A_220] : memref<16x2x16xf32, #tpu.memory_space<vmem_shared>> -> memref<1x1x16xf32, #tpu.memory_space<vmem_shared>>
      %dma_start3A_222 = tpu.memref_squeeze %dma_start3A_221 : memref<1x1x16xf32, #tpu.memory_space<vmem_shared>> -> memref<16xf32, #tpu.memory_space<vmem_shared>>
      %dma_start3A_223 = arith.constant 0 : i32
      %dma_start3A_224 = tpu.memref_slice %arg10[%arg1, %run_scoped3A_89, %dma_start3A_223] : memref<16x2x16xf32, #tpu.memory_space<vmem_shared>> -> memref<1x1x16xf32, #tpu.memory_space<vmem_shared>>
      %dma_start3A_225 = tpu.memref_squeeze %dma_start3A_224 : memref<1x1x16xf32, #tpu.memory_space<vmem_shared>> -> memref<16xf32, #tpu.memory_space<vmem_shared>>
      tpu.enqueue_dma source(%arg9 : memref<16xf32, #tpu.memory_space<vmem>>) target(%dma_start3A_225 : memref<16xf32, #tpu.memory_space<vmem_shared>>) target_semaphore(%run_scoped3A_219 : memref<!tpu.dma_semaphore, #tpu.memory_space<semaphore_mem>>)
      %dma_wait3A_226 = arith.constant 0 : i32
      %dma_wait3A_227 = tpu.memref_slice %arg10[%arg1, %run_scoped3A_89, %dma_wait3A_226] : memref<16x2x16xf32, #tpu.memory_space<vmem_shared>> -> memref<1x1x16xf32, #tpu.memory_space<vmem_shared>>
      %dma_wait3A_228 = tpu.memref_squeeze %dma_wait3A_227 : memref<1x1x16xf32, #tpu.memory_space<vmem_shared>> -> memref<16xf32, #tpu.memory_space<vmem_shared>>
      %dma_wait3A_229 = arith.constant 0 : i32
      %dma_wait3A_230 = tpu.memref_slice %arg10[%arg1, %run_scoped3A_89, %dma_wait3A_229] : memref<16x2x16xf32, #tpu.memory_space<vmem_shared>> -> memref<1x1x16xf32, #tpu.memory_space<vmem_shared>>
      %dma_wait3A_231 = tpu.memref_squeeze %dma_wait3A_230 : memref<1x1x16xf32, #tpu.memory_space<vmem_shared>> -> memref<16xf32, #tpu.memory_space<vmem_shared>>
      tpu.wait_dma2 semaphore(%run_scoped3A_219 : memref<!tpu.dma_semaphore, #tpu.memory_space<semaphore_mem>>) src(%arg9 : memref<16xf32, #tpu.memory_space<vmem>>) dst(%dma_wait3A_231 : memref<16xf32, #tpu.memory_space<vmem_shared>>)
      tpu.yield
    }) : () -> ()
    %barrier3A = arith.constant 0 : index
    tpu.barrier barrier_id(%barrier3A)
    %xor3A = arith.constant 1 : i32
    %xor3A_90 = arith.xori %arg1, %xor3A : i32
    %run_scoped3A_91 = arith.constant 0 : i32
    "tpu.region"() ({
      %run_scoped3A_219 = tpu.sem_alloc : memref<!tpu.dma_semaphore, #tpu.memory_space<semaphore_mem>>
      %dma_start3A_220 = arith.constant 0 : i32
      %dma_start3A_221 = tpu.memref_slice %arg10[%xor3A_90, %run_scoped3A_91, %dma_start3A_220] : memref<16x2x16xf32, #tpu.memory_space<vmem_shared>> -> memref<1x1x16xf32, #tpu.memory_space<vmem_shared>>
      %dma_start3A_222 = tpu.memref_squeeze %dma_start3A_221 : memref<1x1x16xf32, #tpu.memory_space<vmem_shared>> -> memref<16xf32, #tpu.memory_space<vmem_shared>>
      %dma_start3A_223 = arith.constant 0 : i32
      %dma_start3A_224 = tpu.memref_slice %arg10[%xor3A_90, %run_scoped3A_91, %dma_start3A_223] : memref<16x2x16xf32, #tpu.memory_space<vmem_shared>> -> memref<1x1x16xf32, #tpu.memory_space<vmem_shared>>
      %dma_start3A_225 = tpu.memref_squeeze %dma_start3A_224 : memref<1x1x16xf32, #tpu.memory_space<vmem_shared>> -> memref<16xf32, #tpu.memory_space<vmem_shared>>
      tpu.enqueue_dma source(%dma_start3A_225 : memref<16xf32, #tpu.memory_space<vmem_shared>>) target(%arg8 : memref<16xf32, #tpu.memory_space<vmem>>) target_semaphore(%run_scoped3A_219 : memref<!tpu.dma_semaphore, #tpu.memory_space<semaphore_mem>>)
      %dma_wait3A_226 = arith.constant 0 : i32
      %dma_wait3A_227 = tpu.memref_slice %arg10[%xor3A_90, %run_scoped3A_91, %dma_wait3A_226] : memref<16x2x16xf32, #tpu.memory_space<vmem_shared>> -> memref<1x1x16xf32, #tpu.memory_space<vmem_shared>>
      %dma_wait3A_228 = tpu.memref_squeeze %dma_wait3A_227 : memref<1x1x16xf32, #tpu.memory_space<vmem_shared>> -> memref<16xf32, #tpu.memory_space<vmem_shared>>
      %dma_wait3A_229 = arith.constant 0 : i32
      %dma_wait3A_230 = tpu.memref_slice %arg10[%xor3A_90, %run_scoped3A_91, %dma_wait3A_229] : memref<16x2x16xf32, #tpu.memory_space<vmem_shared>> -> memref<1x1x16xf32, #tpu.memory_space<vmem_shared>>
      %dma_wait3A_231 = tpu.memref_squeeze %dma_wait3A_230 : memref<1x1x16xf32, #tpu.memory_space<vmem_shared>> -> memref<16xf32, #tpu.memory_space<vmem_shared>>
      tpu.wait_dma2 semaphore(%run_scoped3A_219 : memref<!tpu.dma_semaphore, #tpu.memory_space<semaphore_mem>>) src(%dma_wait3A_231 : memref<16xf32, #tpu.memory_space<vmem_shared>>) dst(%arg8 : memref<16xf32, #tpu.memory_space<vmem>>)
      tpu.yield
    }) : () -> ()
    %run_scoped3A_92 = arith.constant 1 : i32
    "tpu.region"() ({
      %run_scoped3A_219 = tpu.sem_alloc : memref<!tpu.dma_semaphore, #tpu.memory_space<semaphore_mem>>
      %dma_start3A_220 = arith.constant 0 : i32
      %dma_start3A_221 = tpu.memref_slice %arg10[%xor3A_90, %run_scoped3A_92, %dma_start3A_220] : memref<16x2x16xf32, #tpu.memory_space<vmem_shared>> -> memref<1x1x16xf32, #tpu.memory_space<vmem_shared>>
      %dma_start3A_222 = tpu.memref_squeeze %dma_start3A_221 : memref<1x1x16xf32, #tpu.memory_space<vmem_shared>> -> memref<16xf32, #tpu.memory_space<vmem_shared>>
      %dma_start3A_223 = arith.constant 0 : i32
      %dma_start3A_224 = tpu.memref_slice %arg10[%xor3A_90, %run_scoped3A_92, %dma_start3A_223] : memref<16x2x16xf32, #tpu.memory_space<vmem_shared>> -> memref<1x1x16xf32, #tpu.memory_space<vmem_shared>>
      %dma_start3A_225 = tpu.memref_squeeze %dma_start3A_224 : memref<1x1x16xf32, #tpu.memory_space<vmem_shared>> -> memref<16xf32, #tpu.memory_space<vmem_shared>>
      tpu.enqueue_dma source(%dma_start3A_225 : memref<16xf32, #tpu.memory_space<vmem_shared>>) target(%arg9 : memref<16xf32, #tpu.memory_space<vmem>>) target_semaphore(%run_scoped3A_219 : memref<!tpu.dma_semaphore, #tpu.memory_space<semaphore_mem>>)
      %dma_wait3A_226 = arith.constant 0 : i32
      %dma_wait3A_227 = tpu.memref_slice %arg10[%xor3A_90, %run_scoped3A_92, %dma_wait3A_226] : memref<16x2x16xf32, #tpu.memory_space<vmem_shared>> -> memref<1x1x16xf32, #tpu.memory_space<vmem_shared>>
      %dma_wait3A_228 = tpu.memref_squeeze %dma_wait3A_227 : memref<1x1x16xf32, #tpu.memory_space<vmem_shared>> -> memref<16xf32, #tpu.memory_space<vmem_shared>>
      %dma_wait3A_229 = arith.constant 0 : i32
      %dma_wait3A_230 = tpu.memref_slice %arg10[%xor3A_90, %run_scoped3A_92, %dma_wait3A_229] : memref<16x2x16xf32, #tpu.memory_space<vmem_shared>> -> memref<1x1x16xf32, #tpu.memory_space<vmem_shared>>
      %dma_wait3A_231 = tpu.memref_squeeze %dma_wait3A_230 : memref<1x1x16xf32, #tpu.memory_space<vmem_shared>> -> memref<16xf32, #tpu.memory_space<vmem_shared>>
      tpu.wait_dma2 semaphore(%run_scoped3A_219 : memref<!tpu.dma_semaphore, #tpu.memory_space<semaphore_mem>>) src(%dma_wait3A_231 : memref<16xf32, #tpu.memory_space<vmem_shared>>) dst(%arg9 : memref<16xf32, #tpu.memory_space<vmem>>)
      tpu.yield
    }) : () -> ()
    %get3A = arith.constant 0 : index
    %get3A_93 = tpu.vector_load %arg8[%get3A] {strides = array<i32>} : memref<16xf32, #tpu.memory_space<vmem>>, vector<16xf32>,
    %min3A = arith.minimumf %scan3A_84#0, %get3A_93 : vector<16xf32>
    %get3A_94 = arith.constant 0 : index
    %get3A_95 = tpu.vector_load %arg9[%get3A_94] {strides = array<i32>} : memref<16xf32, #tpu.memory_space<vmem>>, vector<16xf32>,
    %max3A = arith.maximumf %scan3A_84#1, %get3A_95 : vector<16xf32>
    %iota3A = tpu.iota {dimensions = array<i32: 0>} : vector<16xi32>
    %xor3A_96 = arith.constant 8 : i32
    %xor3A_97 = vector.broadcast %xor3A_96 : i32 to vector<16xi32>
    %xor3A_98 = arith.xori %iota3A, %xor3A_97 : vector<16xi32>
    %swap3A_99 = arith.constant 0 : index
    %swap3A_100 = tpu.vector_load %arg8[%swap3A_99] {strides = array<i32>} : memref<16xf32, #tpu.memory_space<vmem>>, vector<16xf32>,
    tpu.vector_store %arg8[%swap3A_99], %min3A {strides = array<i32>} : memref<16xf32, #tpu.memory_space<vmem>>, vector<16xf32>,
    %swap3A_101 = arith.constant 0 : index
    %swap3A_102 = tpu.vector_load %arg9[%swap3A_101] {strides = array<i32>} : memref<16xf32, #tpu.memory_space<vmem>>, vector<16xf32>,
    tpu.vector_store %arg9[%swap3A_101], %max3A {strides = array<i32>} : memref<16xf32, #tpu.memory_space<vmem>>, vector<16xf32>,
    %gather3A = tpu.vector_load_idx %arg8[%xor3A_98] : memref<16xf32, #tpu.memory_space<vmem>>[vector<16xi32>], vector<16xf32>,
    %min3A_103 = arith.minimumf %min3A, %gather3A : vector<16xf32>
    %gather3A_104 = tpu.vector_load_idx %arg9[%xor3A_98] : memref<16xf32, #tpu.memory_space<vmem>>[vector<16xi32>], vector<16xf32>,
    %max3A_105 = arith.maximumf %max3A, %gather3A_104 : vector<16xf32>
    %xor3A_106 = arith.constant 4 : i32
    %xor3A_107 = vector.broadcast %xor3A_106 : i32 to vector<16xi32>
    %xor3A_108 = arith.xori %iota3A, %xor3A_107 : vector<16xi32>
    %swap3A_109 = arith.constant 0 : index
    %swap3A_110 = tpu.vector_load %arg8[%swap3A_109] {strides = array<i32>} : memref<16xf32, #tpu.memory_space<vmem>>, vector<16xf32>,
    tpu.vector_store %arg8[%swap3A_109], %min3A_103 {strides = array<i32>} : memref<16xf32, #tpu.memory_space<vmem>>, vector<16xf32>,
    %swap3A_111 = arith.constant 0 : index
    %swap3A_112 = tpu.vector_load %arg9[%swap3A_111] {strides = array<i32>} : memref<16xf32, #tpu.memory_space<vmem>>, vector<16xf32>,
    tpu.vector_store %arg9[%swap3A_111], %max3A_105 {strides = array<i32>} : memref<16xf32, #tpu.memory_space<vmem>>, vector<16xf32>,
    %gather3A_113 = tpu.vector_load_idx %arg8[%xor3A_108] : memref<16xf32, #tpu.memory_space<vmem>>[vector<16xi32>], vector<16xf32>,
    %min3A_114 = arith.minimumf %min3A_103, %gather3A_113 : vector<16xf32>
    %gather3A_115 = tpu.vector_load_idx %arg9[%xor3A_108] : memref<16xf32, #tpu.memory_space<vmem>>[vector<16xi32>], vector<16xf32>,
    %max3A_116 = arith.maximumf %max3A_105, %gather3A_115 : vector<16xf32>
    %xor3A_117 = arith.constant 2 : i32
    %xor3A_118 = vector.broadcast %xor3A_117 : i32 to vector<16xi32>
    %xor3A_119 = arith.xori %iota3A, %xor3A_118 : vector<16xi32>
    %swap3A_120 = arith.constant 0 : index
    %swap3A_121 = tpu.vector_load %arg8[%swap3A_120] {strides = array<i32>} : memref<16xf32, #tpu.memory_space<vmem>>, vector<16xf32>,
    tpu.vector_store %arg8[%swap3A_120], %min3A_114 {strides = array<i32>} : memref<16xf32, #tpu.memory_space<vmem>>, vector<16xf32>,
    %swap3A_122 = arith.constant 0 : index
    %swap3A_123 = tpu.vector_load %arg9[%swap3A_122] {strides = array<i32>} : memref<16xf32, #tpu.memory_space<vmem>>, vector<16xf32>,
    tpu.vector_store %arg9[%swap3A_122], %max3A_116 {strides = array<i32>} : memref<16xf32, #tpu.memory_space<vmem>>, vector<16xf32>,
    %gather3A_124 = tpu.vector_load_idx %arg8[%xor3A_119] : memref<16xf32, #tpu.memory_space<vmem>>[vector<16xi32>], vector<16xf32>,
    %min3A_125 = arith.minimumf %min3A_114, %gather3A_124 : vector<16xf32>
    %gather3A_126 = tpu.vector_load_idx %arg9[%xor3A_119] : memref<16xf32, #tpu.memory_space<vmem>>[vector<16xi32>], vector<16xf32>,
    %max3A_127 = arith.maximumf %max3A_116, %gather3A_126 : vector<16xf32>
    %xor3A_128 = arith.constant 1 : i32
    %xor3A_129 = vector.broadcast %xor3A_128 : i32 to vector<16xi32>
    %xor3A_130 = arith.xori %iota3A, %xor3A_129 : vector<16xi32>
    %swap3A_131 = arith.constant 0 : index
    %swap3A_132 = tpu.vector_load %arg8[%swap3A_131] {strides = array<i32>} : memref<16xf32, #tpu.memory_space<vmem>>, vector<16xf32>,
    tpu.vector_store %arg8[%swap3A_131], %min3A_125 {strides = array<i32>} : memref<16xf32, #tpu.memory_space<vmem>>, vector<16xf32>,
    %swap3A_133 = arith.constant 0 : index
    %swap3A_134 = tpu.vector_load %arg9[%swap3A_133] {strides = array<i32>} : memref<16xf32, #tpu.memory_space<vmem>>, vector<16xf32>,
    tpu.vector_store %arg9[%swap3A_133], %max3A_127 {strides = array<i32>} : memref<16xf32, #tpu.memory_space<vmem>>, vector<16xf32>,
    %gather3A_135 = tpu.vector_load_idx %arg8[%xor3A_130] : memref<16xf32, #tpu.memory_space<vmem>>[vector<16xi32>], vector<16xf32>,
    %min3A_136 = arith.minimumf %min3A_125, %gather3A_135 : vector<16xf32>
    %gather3A_137 = tpu.vector_load_idx %arg9[%xor3A_130] : memref<16xf32, #tpu.memory_space<vmem>>[vector<16xi32>], vector<16xf32>,
    %max3A_138 = arith.maximumf %max3A_127, %gather3A_137 : vector<16xf32>
    %sub3A_139 = arith.subf %max3A_138, %min3A_136 : vector<16xf32>
    %div3A_140 = arith.constant 2.560000e+02 : f32
    %div3A_141 = vector.broadcast %div3A_140 : f32 to vector<16xf32>
    %div3A_142 = arith.divf %div3A_141, %sub3A_139 : vector<16xf32>
    %eq3A = arith.constant 0 : i32
    %eq3A_143 = arith.cmpi eq, %and3A_18, %eq3A : i32
    %convert_element_type3A = arith.extui %eq3A_143 : i1 to i32
    %cond3A = arith.constant 0 : i32
    %cond3A_144 = arith.cmpi ne, %convert_element_type3A, %cond3A : i32
    scf.if %cond3A_144 {
      %eq3A_219 = arith.constant 0 : i32
      %eq3A_220 = vector.broadcast %eq3A_219 : i32 to vector<16xi32>
      %eq3A_221 = arith.cmpi eq, %iota3A, %eq3A_220 : vector<16xi32>
      %eq3A_222 = arith.constant 1 : i32
      %eq3A_223 = vector.broadcast %eq3A_222 : i32 to vector<16xi32>
      %eq3A_224 = arith.cmpi eq, %iota3A, %eq3A_223 : vector<16xi32>
      %jit3A_225 = arith.constant 0.000000e+00 : f32
      %broadcast_in_dim3A_226 = vector.broadcast %jit3A_225 : f32 to vector<16xf32>
      %select_n3A_227 = arith.select %eq3A_224, %max3A_138, %broadcast_in_dim3A_226 : vector<16xi1>, vector<16xf32>
      %select_n3A_228 = arith.select %eq3A_221, %min3A_136, %select_n3A_227 : vector<16xi1>, vector<16xf32>
      %swap3A_229 = arith.constant 0 : index
      %swap3A_230 = tpu.vector_load %arg8[%swap3A_229] {strides = array<i32>} : memref<16xf32, #tpu.memory_space<vmem>>, vector<16xf32>,
      tpu.vector_store %arg8[%swap3A_229], %select_n3A_228 {strides = array<i32>} : memref<16xf32, #tpu.memory_space<vmem>>, vector<16xf32>,
      "tpu.region"() ({
        %run_scoped3A_231 = tpu.sem_alloc : memref<!tpu.dma_semaphore, #tpu.memory_space<semaphore_mem>>
        %dma_start3A_232 = arith.constant 0 : i32
        %dma_start3A_233 = tpu.memref_slice %arg4[%select_n3A, %dma_start3A_232] : memref<16x16xf32, #tpu.memory_space<hbm>> -> memref<1x16xf32, #tpu.memory_space<hbm>>
        %dma_start3A_234 = tpu.memref_squeeze %dma_start3A_233 : memref<1x16xf32, #tpu.memory_space<hbm>> -> memref<16xf32, #tpu.memory_space<hbm>>
        %dma_start3A_235 = arith.constant 0 : i32
        %dma_start3A_236 = tpu.memref_slice %arg4[%select_n3A, %dma_start3A_235] : memref<16x16xf32, #tpu.memory_space<hbm>> -> memref<1x16xf32, #tpu.memory_space<hbm>>
        %dma_start3A_237 = tpu.memref_squeeze %dma_start3A_236 : memref<1x16xf32, #tpu.memory_space<hbm>> -> memref<16xf32, #tpu.memory_space<hbm>>
        tpu.enqueue_dma source(%arg8 : memref<16xf32, #tpu.memory_space<vmem>>) target(%dma_start3A_237 : memref<16xf32, #tpu.memory_space<hbm>>) target_semaphore(%run_scoped3A_231 : memref<!tpu.dma_semaphore, #tpu.memory_space<semaphore_mem>>)
        %dma_wait3A_238 = arith.constant 0 : i32
        %dma_wait3A_239 = tpu.memref_slice %arg4[%select_n3A, %dma_wait3A_238] : memref<16x16xf32, #tpu.memory_space<hbm>> -> memref<1x16xf32, #tpu.memory_space<hbm>>
        %dma_wait3A_240 = tpu.memref_squeeze %dma_wait3A_239 : memref<1x16xf32, #tpu.memory_space<hbm>> -> memref<16xf32, #tpu.memory_space<hbm>>
        %dma_wait3A_241 = arith.constant 0 : i32
        %dma_wait3A_242 = tpu.memref_slice %arg4[%select_n3A, %dma_wait3A_241] : memref<16x16xf32, #tpu.memory_space<hbm>> -> memref<1x16xf32, #tpu.memory_space<hbm>>
        %dma_wait3A_243 = tpu.memref_squeeze %dma_wait3A_242 : memref<1x16xf32, #tpu.memory_space<hbm>> -> memref<16xf32, #tpu.memory_space<hbm>>
        tpu.wait_dma2 semaphore(%run_scoped3A_231 : memref<!tpu.dma_semaphore, #tpu.memory_space<semaphore_mem>>) src(%arg8 : memref<16xf32, #tpu.memory_space<vmem>>) dst(%dma_wait3A_243 : memref<16xf32, #tpu.memory_space<hbm>>)
        tpu.yield
      }) : () -> ()
    } else {
    }
    %broadcast_in_dim3A_145 = arith.constant 0.000000e+00 : f32
    %broadcast_in_dim3A_146 = vector.broadcast %broadcast_in_dim3A_145 : f32 to vector<16xf32>
    %scan3A_147 = arith.constant 0 : i32
    %scan3A_148 = arith.constant 0 : i32
    %scan3A_149 = arith.constant 256 : i32
    %scan3A_150 = arith.addi %scan3A_148, %scan3A_149 : i32
    %scan3A_151 = arith.constant 1 : i32
    scf.for %scan3A_219 = %scan3A_148 to %scan3A_150 step %scan3A_151  : i32 {
      %swap3A_220 = arith.index_cast %scan3A_219 : i32 to index
      %swap3A_221 = arith.constant 0 : index
      %swap3A_222 = tpu.vector_load %arg7[%swap3A_220, %swap3A_221] {strides = array<i32>} : memref<256x16xf32, #tpu.memory_space<vmem>>, vector<16xf32>,
      tpu.vector_store %arg7[%swap3A_220, %swap3A_221], %broadcast_in_dim3A_146 {strides = array<i32>} : memref<256x16xf32, #tpu.memory_space<vmem>>, vector<16xf32>,
    }
    %scan3A_152 = arith.constant 256 : i32
    %broadcast_in_dim3A_153 = arith.constant 1.000000e+00 : f32
    %broadcast_in_dim3A_154 = vector.broadcast %broadcast_in_dim3A_153 : f32 to vector<16xf32>
    %broadcast_in_dim3A_155 = arith.constant 255 : i32
    %broadcast_in_dim3A_156 = vector.broadcast %broadcast_in_dim3A_155 : i32 to vector<16xi32>
    %broadcast_in_dim3A_157 = arith.constant 0 : i32
    %broadcast_in_dim3A_158 = vector.broadcast %broadcast_in_dim3A_157 : i32 to vector<16xi32>
    %add3A_159 = arith.constant 0 : i32
    %add3A_160 = arith.addi %mul3A_20, %add3A_159 : i32
    %mul3A_161 = arith.constant 16 : i32
    %mul3A_162 = arith.muli %add3A_160, %mul3A_161 : i32
    %add3A_163 = arith.addi %mul3A_162, %select_n3A : i32
    %mul3A_164 = arith.constant 32768 : i32
    %mul3A_165 = arith.muli %add3A_163, %mul3A_164 : i32
    %dma_start3A_166 = tpu.memref_slice %arg2[%mul3A_165] : memref<16252928xf32, #tpu.memory_space<hbm>> -> memref<32768xf32, #tpu.memory_space<hbm>>
    %dma_start3A_167 = tpu.memref_slice %arg2[%mul3A_165] : memref<16252928xf32, #tpu.memory_space<hbm>> -> memref<32768xf32, #tpu.memory_space<hbm>>
    tpu.enqueue_dma source(%dma_start3A_167 : memref<32768xf32, #tpu.memory_space<hbm>>) target(%arg5 : memref<32768xf32, #tpu.memory_space<vmem>>) target_semaphore(%arg11 : memref<!tpu.dma_semaphore, #tpu.memory_space<semaphore_mem>>)
    %add3A_168 = arith.constant 1 : i32
    %add3A_169 = arith.addi %mul3A_20, %add3A_168 : i32
    %mul3A_170 = arith.constant 16 : i32
    %mul3A_171 = arith.muli %add3A_169, %mul3A_170 : i32
    %add3A_172 = arith.addi %mul3A_171, %select_n3A : i32
    %mul3A_173 = arith.constant 32768 : i32
    %mul3A_174 = arith.muli %add3A_172, %mul3A_173 : i32
    %dma_start3A_175 = tpu.memref_slice %arg2[%mul3A_174] : memref<16252928xf32, #tpu.memory_space<hbm>> -> memref<32768xf32, #tpu.memory_space<hbm>>
    %dma_start3A_176 = tpu.memref_slice %arg2[%mul3A_174] : memref<16252928xf32, #tpu.memory_space<hbm>> -> memref<32768xf32, #tpu.memory_space<hbm>>
    tpu.enqueue_dma source(%dma_start3A_176 : memref<32768xf32, #tpu.memory_space<hbm>>) target(%arg6 : memref<32768xf32, #tpu.memory_space<vmem>>) target_semaphore(%arg12 : memref<!tpu.dma_semaphore, #tpu.memory_space<semaphore_mem>>)
    %scan3A_177 = arith.constant 0 : i32
    %scan3A_178 = arith.constant 0 : i32
    %scan3A_179 = arith.constant 7 : i32
    %scan3A_180 = arith.addi %scan3A_178, %scan3A_179 : i32
    %scan3A_181 = arith.constant 1 : i32
    scf.for %scan3A_219 = %scan3A_178 to %scan3A_180 step %scan3A_181  : i32 {
      %mul3A_220 = arith.constant 2 : i32
      %mul3A_221 = arith.muli %mul3A_220, %scan3A_219 : i32
      %add3A_222 = arith.constant 0 : i32
      %add3A_223 = arith.addi %mul3A_221, %add3A_222 : i32
      %add3A_224 = arith.addi %mul3A_20, %add3A_223 : i32
      %mul3A_225 = arith.constant 16 : i32
      %mul3A_226 = arith.muli %add3A_224, %mul3A_225 : i32
      %add3A_227 = arith.addi %mul3A_226, %select_n3A : i32
      %mul3A_228 = arith.constant 32768 : i32
      %mul3A_229 = arith.muli %add3A_227, %mul3A_228 : i32
      %dma_wait3A_230 = tpu.memref_slice %arg2[%mul3A_229] : memref<16252928xf32, #tpu.memory_space<hbm>> -> memref<32768xf32, #tpu.memory_space<hbm>>
      %dma_wait3A_231 = tpu.memref_slice %arg2[%mul3A_229] : memref<16252928xf32, #tpu.memory_space<hbm>> -> memref<32768xf32, #tpu.memory_space<hbm>>
      tpu.wait_dma2 semaphore(%arg11 : memref<!tpu.dma_semaphore, #tpu.memory_space<semaphore_mem>>) src(%dma_wait3A_231 : memref<32768xf32, #tpu.memory_space<hbm>>) dst(%arg5 : memref<32768xf32, #tpu.memory_space<vmem>>)
      %parallel_loop3A_232 = arith.constant 0 : i32
      %parallel_loop3A_233 = arith.constant 2048 : i32
      %parallel_loop3A_234 = arith.constant 1 : i32
      scf.for %parallel_loop3A_263 = %parallel_loop3A_232 to %parallel_loop3A_233 step %parallel_loop3A_234  : i32 {
        %parallel_loop3A_264 = arith.constant 16 : i32
        %parallel_loop3A_265 = arith.muli %parallel_loop3A_263, %parallel_loop3A_264 : i32
        %parallel_loop3A_266 = arith.index_cast %parallel_loop3A_265 : i32 to index
        %parallel_loop3A_267 = tpu.vector_load %arg5[%parallel_loop3A_266] {strides = array<i32>} : memref<32768xf32, #tpu.memory_space<vmem>>, vector<16xf32>,
        %parallel_loop3A_268 = arith.subf %parallel_loop3A_267, %min3A_136 : vector<16xf32>
        %parallel_loop3A_269 = arith.mulf %parallel_loop3A_268, %div3A_142 : vector<16xf32>
        %parallel_loop3A_270 = arith.fptosi %parallel_loop3A_269 : vector<16xf32> to vector<16xi32>
        %parallel_loop3A_271 = arith.minsi %parallel_loop3A_270, %broadcast_in_dim3A_156 : vector<16xi32>
        %parallel_loop3A_272 = arith.maxsi %parallel_loop3A_271, %broadcast_in_dim3A_158 : vector<16xi32>
        tpu.vector_store_idx %arg7[%parallel_loop3A_272, %iota3A], %broadcast_in_dim3A_154 {add = true} : memref<256x16xf32, #tpu.memory_space<vmem>>[vector<16xi32>, vector<16xi32>], vector<16xf32>,
      } {sc.loop_unroll_factor = 8 : i64, sc.parallel_access}
      %add3A_235 = arith.constant 2 : i32
      %add3A_236 = arith.addi %add3A_223, %add3A_235 : i32
      %lt3A = arith.constant 15 : i32
      %lt3A_237 = arith.cmpi slt, %add3A_236, %lt3A : i32
      %convert_element_type3A_238 = arith.extui %lt3A_237 : i1 to i32
      %cond3A_239 = arith.constant 0 : i32
      %cond3A_240 = arith.cmpi ne, %convert_element_type3A_238, %cond3A_239 : i32
      scf.if %cond3A_240 {
        %add3A_263 = arith.constant 2 : i32
        %add3A_264 = arith.addi %add3A_223, %add3A_263 : i32
        %add3A_265 = arith.addi %mul3A_20, %add3A_264 : i32
        %mul3A_266 = arith.constant 16 : i32
        %mul3A_267 = arith.muli %add3A_265, %mul3A_266 : i32
        %add3A_268 = arith.addi %mul3A_267, %select_n3A : i32
        %mul3A_269 = arith.constant 32768 : i32
        %mul3A_270 = arith.muli %add3A_268, %mul3A_269 : i32
        %dma_start3A_271 = tpu.memref_slice %arg2[%mul3A_270] : memref<16252928xf32, #tpu.memory_space<hbm>> -> memref<32768xf32, #tpu.memory_space<hbm>>
        %dma_start3A_272 = tpu.memref_slice %arg2[%mul3A_270] : memref<16252928xf32, #tpu.memory_space<hbm>> -> memref<32768xf32, #tpu.memory_space<hbm>>
        tpu.enqueue_dma source(%dma_start3A_272 : memref<32768xf32, #tpu.memory_space<hbm>>) target(%arg5 : memref<32768xf32, #tpu.memory_space<vmem>>) target_semaphore(%arg11 : memref<!tpu.dma_semaphore, #tpu.memory_space<semaphore_mem>>)
      } else {
      }
      %mul3A_241 = arith.constant 2 : i32
      %mul3A_242 = arith.muli %mul3A_241, %scan3A_219 : i32
      %add3A_243 = arith.constant 1 : i32
      %add3A_244 = arith.addi %mul3A_242, %add3A_243 : i32
      %add3A_245 = arith.addi %mul3A_20, %add3A_244 : i32
      %mul3A_246 = arith.constant 16 : i32
      %mul3A_247 = arith.muli %add3A_245, %mul3A_246 : i32
      %add3A_248 = arith.addi %mul3A_247, %select_n3A : i32
      %mul3A_249 = arith.constant 32768 : i32
      %mul3A_250 = arith.muli %add3A_248, %mul3A_249 : i32
      %dma_wait3A_251 = tpu.memref_slice %arg2[%mul3A_250] : memref<16252928xf32, #tpu.memory_space<hbm>> -> memref<32768xf32, #tpu.memory_space<hbm>>
      %dma_wait3A_252 = tpu.memref_slice %arg2[%mul3A_250] : memref<16252928xf32, #tpu.memory_space<hbm>> -> memref<32768xf32, #tpu.memory_space<hbm>>
      tpu.wait_dma2 semaphore(%arg12 : memref<!tpu.dma_semaphore, #tpu.memory_space<semaphore_mem>>) src(%dma_wait3A_252 : memref<32768xf32, #tpu.memory_space<hbm>>) dst(%arg6 : memref<32768xf32, #tpu.memory_space<vmem>>)
      %parallel_loop3A_253 = arith.constant 0 : i32
      %parallel_loop3A_254 = arith.constant 2048 : i32
      %parallel_loop3A_255 = arith.constant 1 : i32
      scf.for %parallel_loop3A_263 = %parallel_loop3A_253 to %parallel_loop3A_254 step %parallel_loop3A_255  : i32 {
        %parallel_loop3A_264 = arith.constant 16 : i32
        %parallel_loop3A_265 = arith.muli %parallel_loop3A_263, %parallel_loop3A_264 : i32
        %parallel_loop3A_266 = arith.index_cast %parallel_loop3A_265 : i32 to index
        %parallel_loop3A_267 = tpu.vector_load %arg6[%parallel_loop3A_266] {strides = array<i32>} : memref<32768xf32, #tpu.memory_space<vmem>>, vector<16xf32>,
        %parallel_loop3A_268 = arith.subf %parallel_loop3A_267, %min3A_136 : vector<16xf32>
        %parallel_loop3A_269 = arith.mulf %parallel_loop3A_268, %div3A_142 : vector<16xf32>
        %parallel_loop3A_270 = arith.fptosi %parallel_loop3A_269 : vector<16xf32> to vector<16xi32>
        %parallel_loop3A_271 = arith.minsi %parallel_loop3A_270, %broadcast_in_dim3A_156 : vector<16xi32>
        %parallel_loop3A_272 = arith.maxsi %parallel_loop3A_271, %broadcast_in_dim3A_158 : vector<16xi32>
        tpu.vector_store_idx %arg7[%parallel_loop3A_272, %iota3A], %broadcast_in_dim3A_154 {add = true} : memref<256x16xf32, #tpu.memory_space<vmem>>[vector<16xi32>, vector<16xi32>], vector<16xf32>,
      } {sc.loop_unroll_factor = 8 : i64, sc.parallel_access}
      %add3A_256 = arith.constant 2 : i32
      %add3A_257 = arith.addi %add3A_244, %add3A_256 : i32
      %lt3A_258 = arith.constant 15 : i32
      %lt3A_259 = arith.cmpi slt, %add3A_257, %lt3A_258 : i32
      %convert_element_type3A_260 = arith.extui %lt3A_259 : i1 to i32
      %cond3A_261 = arith.constant 0 : i32
      %cond3A_262 = arith.cmpi ne, %convert_element_type3A_260, %cond3A_261 : i32
      scf.if %cond3A_262 {
        %add3A_263 = arith.constant 2 : i32
        %add3A_264 = arith.addi %add3A_244, %add3A_263 : i32
        %add3A_265 = arith.addi %mul3A_20, %add3A_264 : i32
        %mul3A_266 = arith.constant 16 : i32
        %mul3A_267 = arith.muli %add3A_265, %mul3A_266 : i32
        %add3A_268 = arith.addi %mul3A_267, %select_n3A : i32
        %mul3A_269 = arith.constant 32768 : i32
        %mul3A_270 = arith.muli %add3A_268, %mul3A_269 : i32
        %dma_start3A_271 = tpu.memref_slice %arg2[%mul3A_270] : memref<16252928xf32, #tpu.memory_space<hbm>> -> memref<32768xf32, #tpu.memory_space<hbm>>
        %dma_start3A_272 = tpu.memref_slice %arg2[%mul3A_270] : memref<16252928xf32, #tpu.memory_space<hbm>> -> memref<32768xf32, #tpu.memory_space<hbm>>
        tpu.enqueue_dma source(%dma_start3A_272 : memref<32768xf32, #tpu.memory_space<hbm>>) target(%arg6 : memref<32768xf32, #tpu.memory_space<vmem>>) target_semaphore(%arg12 : memref<!tpu.dma_semaphore, #tpu.memory_space<semaphore_mem>>)
      } else {
      }
    }
    %scan3A_182 = arith.constant 7 : i32
    %add3A_183 = arith.constant 14 : i32
    %add3A_184 = arith.addi %mul3A_20, %add3A_183 : i32
    %mul3A_185 = arith.constant 16 : i32
    %mul3A_186 = arith.muli %add3A_184, %mul3A_185 : i32
    %add3A_187 = arith.addi %mul3A_186, %select_n3A : i32
    %mul3A_188 = arith.constant 32768 : i32
    %mul3A_189 = arith.muli %add3A_187, %mul3A_188 : i32
    %dma_wait3A_190 = tpu.memref_slice %arg2[%mul3A_189] : memref<16252928xf32, #tpu.memory_space<hbm>> -> memref<32768xf32, #tpu.memory_space<hbm>>
    %dma_wait3A_191 = tpu.memref_slice %arg2[%mul3A_189] : memref<16252928xf32, #tpu.memory_space<hbm>> -> memref<32768xf32, #tpu.memory_space<hbm>>
    tpu.wait_dma2 semaphore(%arg11 : memref<!tpu.dma_semaphore, #tpu.memory_space<semaphore_mem>>) src(%dma_wait3A_191 : memref<32768xf32, #tpu.memory_space<hbm>>) dst(%arg5 : memref<32768xf32, #tpu.memory_space<vmem>>)
    %add3A_192 = arith.constant 480 : i32
    %add3A_193 = arith.addi %add3A_192, %select_n3A : i32
    %mul3A_194 = arith.constant 32768 : i32
    %mul3A_195 = arith.muli %add3A_193, %mul3A_194 : i32
    %dma_start3A_196 = arith.constant 0 : i32
    %dma_start3A_197 = tpu.memref_slice %arg6[%dma_start3A_196] : memref<32768xf32, #tpu.memory_space<vmem>> -> memref<16960xf32, #tpu.memory_space<vmem>>
    %dma_start3A_198 = tpu.memref_slice %arg2[%mul3A_195] : memref<16252928xf32, #tpu.memory_space<hbm>> -> memref<16960xf32, #tpu.memory_space<hbm>>
    %dma_start3A_199 = arith.constant 0 : i32
    %dma_start3A_200 = tpu.memref_slice %arg6[%dma_start3A_199] : memref<32768xf32, #tpu.memory_space<vmem>> -> memref<16960xf32, #tpu.memory_space<vmem>>
    %dma_start3A_201 = tpu.memref_slice %arg2[%mul3A_195] : memref<16252928xf32, #tpu.memory_space<hbm>> -> memref<16960xf32, #tpu.memory_space<hbm>>
    tpu.enqueue_dma source(%dma_start3A_201 : memref<16960xf32, #tpu.memory_space<hbm>>) target(%dma_start3A_200 : memref<16960xf32, #tpu.memory_space<vmem>>) target_semaphore(%arg12 : memref<!tpu.dma_semaphore, #tpu.memory_space<semaphore_mem>>)
    %parallel_loop3A = arith.constant 0 : i32
    %parallel_loop3A_202 = arith.constant 2048 : i32
    %parallel_loop3A_203 = arith.constant 1 : i32
    scf.for %parallel_loop3A_219 = %parallel_loop3A to %parallel_loop3A_202 step %parallel_loop3A_203  : i32 {
      %parallel_loop3A_220 = arith.constant 16 : i32
      %parallel_loop3A_221 = arith.muli %parallel_loop3A_219, %parallel_loop3A_220 : i32
      %parallel_loop3A_222 = arith.index_cast %parallel_loop3A_221 : i32 to index
      %parallel_loop3A_223 = tpu.vector_load %arg5[%parallel_loop3A_222] {strides = array<i32>} : memref<32768xf32, #tpu.memory_space<vmem>>, vector<16xf32>,
      %parallel_loop3A_224 = arith.subf %parallel_loop3A_223, %min3A_136 : vector<16xf32>
      %parallel_loop3A_225 = arith.mulf %parallel_loop3A_224, %div3A_142 : vector<16xf32>
      %parallel_loop3A_226 = arith.fptosi %parallel_loop3A_225 : vector<16xf32> to vector<16xi32>
      %parallel_loop3A_227 = arith.minsi %parallel_loop3A_226, %broadcast_in_dim3A_156 : vector<16xi32>
      %parallel_loop3A_228 = arith.maxsi %parallel_loop3A_227, %broadcast_in_dim3A_158 : vector<16xi32>
      tpu.vector_store_idx %arg7[%parallel_loop3A_228, %iota3A], %broadcast_in_dim3A_154 {add = true} : memref<256x16xf32, #tpu.memory_space<vmem>>[vector<16xi32>, vector<16xi32>], vector<16xf32>,
    } {sc.loop_unroll_factor = 8 : i64, sc.parallel_access}
    %add3A_204 = arith.constant 480 : i32
    %add3A_205 = arith.addi %add3A_204, %select_n3A : i32
    %mul3A_206 = arith.constant 32768 : i32
    %mul3A_207 = arith.muli %add3A_205, %mul3A_206 : i32
    %dma_wait3A_208 = arith.constant 0 : i32
    %dma_wait3A_209 = tpu.memref_slice %arg6[%dma_wait3A_208] : memref<32768xf32, #tpu.memory_space<vmem>> -> memref<16960xf32, #tpu.memory_space<vmem>>
    %dma_wait3A_210 = tpu.memref_slice %arg2[%mul3A_207] : memref<16252928xf32, #tpu.memory_space<hbm>> -> memref<16960xf32, #tpu.memory_space<hbm>>
    %dma_wait3A_211 = arith.constant 0 : i32
    %dma_wait3A_212 = tpu.memref_slice %arg6[%dma_wait3A_211] : memref<32768xf32, #tpu.memory_space<vmem>> -> memref<16960xf32, #tpu.memory_space<vmem>>
    %dma_wait3A_213 = tpu.memref_slice %arg2[%mul3A_207] : memref<16252928xf32, #tpu.memory_space<hbm>> -> memref<16960xf32, #tpu.memory_space<hbm>>
    tpu.wait_dma2 semaphore(%arg12 : memref<!tpu.dma_semaphore, #tpu.memory_space<semaphore_mem>>) src(%dma_wait3A_213 : memref<16960xf32, #tpu.memory_space<hbm>>) dst(%dma_wait3A_212 : memref<16960xf32, #tpu.memory_space<vmem>>)
    %eq3A_214 = arith.constant 1 : i32
    %eq3A_215 = arith.cmpi eq, %and3A_18, %eq3A_214 : i32
    %convert_element_type3A_216 = arith.extui %eq3A_215 : i1 to i32
    %cond3A_217 = arith.constant 0 : i32
    %cond3A_218 = arith.cmpi ne, %convert_element_type3A_216, %cond3A_217 : i32
    scf.if %cond3A_218 {
      %parallel_loop3A_219 = arith.constant 0 : i32
      %parallel_loop3A_220 = arith.constant 1060 : i32
      %parallel_loop3A_221 = arith.constant 1 : i32
      scf.for %parallel_loop3A_222 = %parallel_loop3A_219 to %parallel_loop3A_220 step %parallel_loop3A_221  : i32 {
        %parallel_loop3A_223 = arith.constant 16 : i32
        %parallel_loop3A_224 = arith.muli %parallel_loop3A_222, %parallel_loop3A_223 : i32
        %parallel_loop3A_225 = arith.index_cast %parallel_loop3A_224 : i32 to index
        %parallel_loop3A_226 = tpu.vector_load %arg6[%parallel_loop3A_225] {strides = array<i32>} : memref<32768xf32, #tpu.memory_space<vmem>>, vector<16xf32>,
        %parallel_loop3A_227 = arith.subf %parallel_loop3A_226, %min3A_136 : vector<16xf32>
        %parallel_loop3A_228 = arith.mulf %parallel_loop3A_227, %div3A_142 : vector<16xf32>
        %parallel_loop3A_229 = arith.fptosi %parallel_loop3A_228 : vector<16xf32> to vector<16xi32>
        %parallel_loop3A_230 = arith.minsi %parallel_loop3A_229, %broadcast_in_dim3A_156 : vector<16xi32>
        %parallel_loop3A_231 = arith.maxsi %parallel_loop3A_230, %broadcast_in_dim3A_158 : vector<16xi32>
        tpu.vector_store_idx %arg7[%parallel_loop3A_231, %iota3A], %broadcast_in_dim3A_154 {add = true} : memref<256x16xf32, #tpu.memory_space<vmem>>[vector<16xi32>, vector<16xi32>], vector<16xf32>,
      } {sc.loop_unroll_factor = 4 : i64, sc.parallel_access}
    } else {
    }
    "tpu.region"() ({
      %run_scoped3A_219 = tpu.sem_alloc : memref<!tpu.dma_semaphore, #tpu.memory_space<semaphore_mem>>
      %dma_start3A_220 = arith.constant 0 : i32
      %dma_start3A_221 = arith.constant 0 : i32
      %dma_start3A_222 = tpu.memref_slice %arg3[%add3A, %dma_start3A_220, %dma_start3A_221] : memref<32x256x16xf32, #tpu.memory_space<hbm>> -> memref<1x256x16xf32, #tpu.memory_space<hbm>>
      %dma_start3A_223 = tpu.memref_squeeze %dma_start3A_222 : memref<1x256x16xf32, #tpu.memory_space<hbm>> -> memref<256x16xf32, #tpu.memory_space<hbm>>
      %dma_start3A_224 = arith.constant 0 : i32
      %dma_start3A_225 = arith.constant 0 : i32
      %dma_start3A_226 = tpu.memref_slice %arg3[%add3A, %dma_start3A_224, %dma_start3A_225] : memref<32x256x16xf32, #tpu.memory_space<hbm>> -> memref<1x256x16xf32, #tpu.memory_space<hbm>>
      %dma_start3A_227 = tpu.memref_squeeze %dma_start3A_226 : memref<1x256x16xf32, #tpu.memory_space<hbm>> -> memref<256x16xf32, #tpu.memory_space<hbm>>
      tpu.enqueue_dma source(%arg7 : memref<256x16xf32, #tpu.memory_space<vmem>>) target(%dma_start3A_227 : memref<256x16xf32, #tpu.memory_space<hbm>>) target_semaphore(%run_scoped3A_219 : memref<!tpu.dma_semaphore, #tpu.memory_space<semaphore_mem>>)
      %dma_wait3A_228 = arith.constant 0 : i32
      %dma_wait3A_229 = arith.constant 0 : i32
      %dma_wait3A_230 = tpu.memref_slice %arg3[%add3A, %dma_wait3A_228, %dma_wait3A_229] : memref<32x256x16xf32, #tpu.memory_space<hbm>> -> memref<1x256x16xf32, #tpu.memory_space<hbm>>
      %dma_wait3A_231 = tpu.memref_squeeze %dma_wait3A_230 : memref<1x256x16xf32, #tpu.memory_space<hbm>> -> memref<256x16xf32, #tpu.memory_space<hbm>>
      %dma_wait3A_232 = arith.constant 0 : i32
      %dma_wait3A_233 = arith.constant 0 : i32
      %dma_wait3A_234 = tpu.memref_slice %arg3[%add3A, %dma_wait3A_232, %dma_wait3A_233] : memref<32x256x16xf32, #tpu.memory_space<hbm>> -> memref<1x256x16xf32, #tpu.memory_space<hbm>>
      %dma_wait3A_235 = tpu.memref_squeeze %dma_wait3A_234 : memref<1x256x16xf32, #tpu.memory_space<hbm>> -> memref<256x16xf32, #tpu.memory_space<hbm>>
      tpu.wait_dma2 semaphore(%run_scoped3A_219 : memref<!tpu.dma_semaphore, #tpu.memory_space<semaphore_mem>>) src(%arg7 : memref<256x16xf32, #tpu.memory_space<vmem>>) dst(%dma_wait3A_235 : memref<256x16xf32, #tpu.memory_space<hbm>>)
      tpu.yield
    }) : () -> ()
    return
  }
}

module attributes {stable_mosaic.version = 14 : i64} {
  func.func @_tc_body(%arg0: memref<32x256x16xf32, #tpu.memory_space<vmem>>, %arg1: memref<16x16xf32, #tpu.memory_space<vmem>>, %arg2: memref<256x128xf32, #tpu.memory_space<vmem>>, %arg3: memref<257x128xf32, #tpu.memory_space<vmem>>, %arg4: memref<128xf32, #tpu.memory_space<vmem>>, %arg5: memref<16x128xf32, #tpu.memory_space<vmem>>) attributes {dimension_semantics = [], scalar_prefetch = 0 : i64, scratch_operands = 0 : i64, tpu.core_type = #tpu.core_type<tc>} {
    %get3A = arith.constant 0 : index
    %get3A_0 = arith.constant 0 : index
    %get3A_1 = arith.constant 0 : index
    %get3A_2 = vector.load %arg0[%get3A, %get3A_0, %get3A_1] : memref<32x256x16xf32, #tpu.memory_space<vmem>>, vector<32x256x16xf32>
    %reshape3A = vector.shape_cast %get3A_2 : vector<32x256x16xf32> to vector<16x2x256x16xf32>
    %reduce_sum3A = arith.constant dense<0.000000e+00> : vector<16x256xf32>
    %reduce_sum3A_3 = vector.multi_reduction <add>, %reshape3A, %reduce_sum3A [1, 3] : vector<16x2x256x16xf32> to vector<16x256xf32>
    %reduce_sum3A_4 = arith.constant dense<0.000000e+00> : vector<16xf32>
    %reduce_sum3A_5 = vector.multi_reduction <add>, %reduce_sum3A_3, %reduce_sum3A_4 [1] : vector<16x256xf32> to vector<16xf32>
    %broadcast_in_dim3A = vector.shape_cast %reduce_sum3A_5 : vector<16xf32> to vector<16x1xf32>
    %div3A = vector.broadcast %broadcast_in_dim3A : vector<16x1xf32> to vector<16x256xf32>
    %div3A_6 = arith.divf %reduce_sum3A_3, %div3A : vector<16x256xf32>
    %get3A_7 = arith.constant 0 : index
    %get3A_8 = arith.constant 0 : index
    %get3A_9 = vector.load %arg1[%get3A_7, %get3A_8] : memref<16x16xf32, #tpu.memory_space<vmem>>, vector<16x1xf32>
    %get3A_10 = arith.constant 0 : index
    %get3A_11 = arith.constant 1 : index
    %get3A_12 = vector.load %arg1[%get3A_10, %get3A_11] : memref<16x16xf32, #tpu.memory_space<vmem>>, vector<16x1xf32>
    %iota3A = tpu.iota {dimensions = array<i32: 1>} : vector<16x257xi32>
    %convert_element_type3A = arith.sitofp %iota3A : vector<16x257xi32> to vector<16x257xf32>
    %sub3A = arith.subf %get3A_12, %get3A_9 : vector<16x1xf32>
    %mul3A = arith.constant 3.906250e-03 : f32
    %mul3A_13 = vector.broadcast %mul3A : f32 to vector<16x257xf32>
    %mul3A_14 = arith.mulf %convert_element_type3A, %mul3A_13 : vector<16x257xf32>
    %mul3A_15 = vector.broadcast %sub3A : vector<16x1xf32> to vector<16x257xf32>
    %mul3A_16 = arith.mulf %mul3A_15, %mul3A_14 : vector<16x257xf32>
    %add3A = vector.broadcast %get3A_9 : vector<16x1xf32> to vector<16x257xf32>
    %add3A_17 = arith.addf %add3A, %mul3A_16 : vector<16x257xf32>
    %get3A_18 = arith.constant 0 : index
    %get3A_19 = arith.constant 0 : index
    %get3A_20 = vector.load %arg2[%get3A_18, %get3A_19] : memref<256x128xf32, #tpu.memory_space<vmem>>, vector<256x128xf32>
    %dot_general3A = arith.constant dense<0.000000e+00> : vector<16x128xf32>
    %dot_general3A_21 = tpu.matmul %div3A_6, %get3A_20, %dot_general3A {dimension_numbers = #tpu.dot_dimension_numbers<[1], [0], [0], [1], [0, 0, 1, 1], [], []>, transpose_lhs_hint = false} : vector<16x256xf32>, vector<256x128xf32>, vector<16x128xf32> -> vector<16x128xf32>
    %get3A_22 = arith.constant 0 : index
    %get3A_23 = arith.constant 0 : index
    %get3A_24 = vector.load %arg3[%get3A_22, %get3A_23] : memref<257x128xf32, #tpu.memory_space<vmem>>, vector<257x128xf32>
    %dot_general3A_25 = arith.constant dense<0.000000e+00> : vector<16x128xf32>
    %dot_general3A_26 = tpu.matmul %add3A_17, %get3A_24, %dot_general3A_25 {dimension_numbers = #tpu.dot_dimension_numbers<[1], [0], [0], [1], [0, 0, 1, 1], [], []>, transpose_lhs_hint = false} : vector<16x257xf32>, vector<257x128xf32>, vector<16x128xf32> -> vector<16x128xf32>
    %add3A_27 = arith.addf %dot_general3A_21, %dot_general3A_26 : vector<16x128xf32>
    %get3A_28 = arith.constant 0 : index
    %get3A_29 = vector.load %arg4[%get3A_28] : memref<128xf32, #tpu.memory_space<vmem>>, vector<128xf32>
    %broadcast_in_dim3A_30 = vector.shape_cast %get3A_29 : vector<128xf32> to vector<1x128xf32>
    %add3A_31 = vector.broadcast %broadcast_in_dim3A_30 : vector<1x128xf32> to vector<16x128xf32>
    %add3A_32 = arith.addf %add3A_27, %add3A_31 : vector<16x128xf32>
    %swap3A = arith.constant 0 : index
    %swap3A_33 = arith.constant 0 : index
    %swap3A_34 = vector.load %arg5[%swap3A, %swap3A_33] : memref<16x128xf32, #tpu.memory_space<vmem>>, vector<16x128xf32>
    tpu.vector_store %arg5[%swap3A, %swap3A_33], %add3A_32 {strides = array<i32>} : memref<16x128xf32, #tpu.memory_space<vmem>>, vector<16x128xf32>,
    return
  }
}

module attributes {stable_mosaic.version = 14 : i64} {
  func.func @_linz_body(%arg0: i32, %arg1: memref<16x32768xf32, #tpu.memory_space<vmem>>, %arg2: memref<524288xf32, #tpu.memory_space<vmem>>) attributes {dimension_semantics = [#tpu.dimension_semantics<arbitrary>], iteration_bounds = array<i64: 31>, scalar_prefetch = 0 : i64, scratch_operands = 0 : i64, tpu.core_type = #tpu.core_type<tc>, window_params = [{transform_indices = @transform_0, window_bounds = array<i64: 16, 32768>}, {transform_indices = @transform_1, window_bounds = array<i64: 524288>}]} {
    %get3A = arith.constant 0 : index
    %get3A_0 = arith.constant 0 : index
    %get3A_1 = vector.load %arg1[%get3A, %get3A_0] : memref<16x32768xf32, #tpu.memory_space<vmem>>, vector<1x32768xf32>
    %get3A_2 = vector.shape_cast %get3A_1 : vector<1x32768xf32> to vector<32768xf32>
    %swap3A = arith.constant 0 : index
    %swap3A_3 = vector.load %arg2[%swap3A] : memref<524288xf32, #tpu.memory_space<vmem>>, vector<32768xf32>
    tpu.vector_store %arg2[%swap3A], %get3A_2 {strides = array<i32>} : memref<524288xf32, #tpu.memory_space<vmem>>, vector<32768xf32>,
    %get3A_4 = arith.constant 1 : index
    %get3A_5 = arith.constant 0 : index
    %get3A_6 = vector.load %arg1[%get3A_4, %get3A_5] : memref<16x32768xf32, #tpu.memory_space<vmem>>, vector<1x32768xf32>
    %get3A_7 = vector.shape_cast %get3A_6 : vector<1x32768xf32> to vector<32768xf32>
    %swap3A_8 = arith.constant 32768 : index
    %swap3A_9 = vector.load %arg2[%swap3A_8] : memref<524288xf32, #tpu.memory_space<vmem>>, vector<32768xf32>
    tpu.vector_store %arg2[%swap3A_8], %get3A_7 {strides = array<i32>} : memref<524288xf32, #tpu.memory_space<vmem>>, vector<32768xf32>,
    %get3A_10 = arith.constant 2 : index
    %get3A_11 = arith.constant 0 : index
    %get3A_12 = vector.load %arg1[%get3A_10, %get3A_11] : memref<16x32768xf32, #tpu.memory_space<vmem>>, vector<1x32768xf32>
    %get3A_13 = vector.shape_cast %get3A_12 : vector<1x32768xf32> to vector<32768xf32>
    %swap3A_14 = arith.constant 65536 : index
    %swap3A_15 = vector.load %arg2[%swap3A_14] : memref<524288xf32, #tpu.memory_space<vmem>>, vector<32768xf32>
    tpu.vector_store %arg2[%swap3A_14], %get3A_13 {strides = array<i32>} : memref<524288xf32, #tpu.memory_space<vmem>>, vector<32768xf32>,
    %get3A_16 = arith.constant 3 : index
    %get3A_17 = arith.constant 0 : index
    %get3A_18 = vector.load %arg1[%get3A_16, %get3A_17] : memref<16x32768xf32, #tpu.memory_space<vmem>>, vector<1x32768xf32>
    %get3A_19 = vector.shape_cast %get3A_18 : vector<1x32768xf32> to vector<32768xf32>
    %swap3A_20 = arith.constant 98304 : index
    %swap3A_21 = vector.load %arg2[%swap3A_20] : memref<524288xf32, #tpu.memory_space<vmem>>, vector<32768xf32>
    tpu.vector_store %arg2[%swap3A_20], %get3A_19 {strides = array<i32>} : memref<524288xf32, #tpu.memory_space<vmem>>, vector<32768xf32>,
    %get3A_22 = arith.constant 4 : index
    %get3A_23 = arith.constant 0 : index
    %get3A_24 = vector.load %arg1[%get3A_22, %get3A_23] : memref<16x32768xf32, #tpu.memory_space<vmem>>, vector<1x32768xf32>
    %get3A_25 = vector.shape_cast %get3A_24 : vector<1x32768xf32> to vector<32768xf32>
    %swap3A_26 = arith.constant 131072 : index
    %swap3A_27 = vector.load %arg2[%swap3A_26] : memref<524288xf32, #tpu.memory_space<vmem>>, vector<32768xf32>
    tpu.vector_store %arg2[%swap3A_26], %get3A_25 {strides = array<i32>} : memref<524288xf32, #tpu.memory_space<vmem>>, vector<32768xf32>,
    %get3A_28 = arith.constant 5 : index
    %get3A_29 = arith.constant 0 : index
    %get3A_30 = vector.load %arg1[%get3A_28, %get3A_29] : memref<16x32768xf32, #tpu.memory_space<vmem>>, vector<1x32768xf32>
    %get3A_31 = vector.shape_cast %get3A_30 : vector<1x32768xf32> to vector<32768xf32>
    %swap3A_32 = arith.constant 163840 : index
    %swap3A_33 = vector.load %arg2[%swap3A_32] : memref<524288xf32, #tpu.memory_space<vmem>>, vector<32768xf32>
    tpu.vector_store %arg2[%swap3A_32], %get3A_31 {strides = array<i32>} : memref<524288xf32, #tpu.memory_space<vmem>>, vector<32768xf32>,
    %get3A_34 = arith.constant 6 : index
    %get3A_35 = arith.constant 0 : index
    %get3A_36 = vector.load %arg1[%get3A_34, %get3A_35] : memref<16x32768xf32, #tpu.memory_space<vmem>>, vector<1x32768xf32>
    %get3A_37 = vector.shape_cast %get3A_36 : vector<1x32768xf32> to vector<32768xf32>
    %swap3A_38 = arith.constant 196608 : index
    %swap3A_39 = vector.load %arg2[%swap3A_38] : memref<524288xf32, #tpu.memory_space<vmem>>, vector<32768xf32>
    tpu.vector_store %arg2[%swap3A_38], %get3A_37 {strides = array<i32>} : memref<524288xf32, #tpu.memory_space<vmem>>, vector<32768xf32>,
    %get3A_40 = arith.constant 7 : index
    %get3A_41 = arith.constant 0 : index
    %get3A_42 = vector.load %arg1[%get3A_40, %get3A_41] : memref<16x32768xf32, #tpu.memory_space<vmem>>, vector<1x32768xf32>
    %get3A_43 = vector.shape_cast %get3A_42 : vector<1x32768xf32> to vector<32768xf32>
    %swap3A_44 = arith.constant 229376 : index
    %swap3A_45 = vector.load %arg2[%swap3A_44] : memref<524288xf32, #tpu.memory_space<vmem>>, vector<32768xf32>
    tpu.vector_store %arg2[%swap3A_44], %get3A_43 {strides = array<i32>} : memref<524288xf32, #tpu.memory_space<vmem>>, vector<32768xf32>,
    %get3A_46 = arith.constant 8 : index
    %get3A_47 = arith.constant 0 : index
    %get3A_48 = vector.load %arg1[%get3A_46, %get3A_47] : memref<16x32768xf32, #tpu.memory_space<vmem>>, vector<1x32768xf32>
    %get3A_49 = vector.shape_cast %get3A_48 : vector<1x32768xf32> to vector<32768xf32>
    %swap3A_50 = arith.constant 262144 : index
    %swap3A_51 = vector.load %arg2[%swap3A_50] : memref<524288xf32, #tpu.memory_space<vmem>>, vector<32768xf32>
    tpu.vector_store %arg2[%swap3A_50], %get3A_49 {strides = array<i32>} : memref<524288xf32, #tpu.memory_space<vmem>>, vector<32768xf32>,
    %get3A_52 = arith.constant 9 : index
    %get3A_53 = arith.constant 0 : index
    %get3A_54 = vector.load %arg1[%get3A_52, %get3A_53] : memref<16x32768xf32, #tpu.memory_space<vmem>>, vector<1x32768xf32>
    %get3A_55 = vector.shape_cast %get3A_54 : vector<1x32768xf32> to vector<32768xf32>
    %swap3A_56 = arith.constant 294912 : index
    %swap3A_57 = vector.load %arg2[%swap3A_56] : memref<524288xf32, #tpu.memory_space<vmem>>, vector<32768xf32>
    tpu.vector_store %arg2[%swap3A_56], %get3A_55 {strides = array<i32>} : memref<524288xf32, #tpu.memory_space<vmem>>, vector<32768xf32>,
    %get3A_58 = arith.constant 10 : index
    %get3A_59 = arith.constant 0 : index
    %get3A_60 = vector.load %arg1[%get3A_58, %get3A_59] : memref<16x32768xf32, #tpu.memory_space<vmem>>, vector<1x32768xf32>
    %get3A_61 = vector.shape_cast %get3A_60 : vector<1x32768xf32> to vector<32768xf32>
    %swap3A_62 = arith.constant 327680 : index
    %swap3A_63 = vector.load %arg2[%swap3A_62] : memref<524288xf32, #tpu.memory_space<vmem>>, vector<32768xf32>
    tpu.vector_store %arg2[%swap3A_62], %get3A_61 {strides = array<i32>} : memref<524288xf32, #tpu.memory_space<vmem>>, vector<32768xf32>,
    %get3A_64 = arith.constant 11 : index
    %get3A_65 = arith.constant 0 : index
    %get3A_66 = vector.load %arg1[%get3A_64, %get3A_65] : memref<16x32768xf32, #tpu.memory_space<vmem>>, vector<1x32768xf32>
    %get3A_67 = vector.shape_cast %get3A_66 : vector<1x32768xf32> to vector<32768xf32>
    %swap3A_68 = arith.constant 360448 : index
    %swap3A_69 = vector.load %arg2[%swap3A_68] : memref<524288xf32, #tpu.memory_space<vmem>>, vector<32768xf32>
    tpu.vector_store %arg2[%swap3A_68], %get3A_67 {strides = array<i32>} : memref<524288xf32, #tpu.memory_space<vmem>>, vector<32768xf32>,
    %get3A_70 = arith.constant 12 : index
    %get3A_71 = arith.constant 0 : index
    %get3A_72 = vector.load %arg1[%get3A_70, %get3A_71] : memref<16x32768xf32, #tpu.memory_space<vmem>>, vector<1x32768xf32>
    %get3A_73 = vector.shape_cast %get3A_72 : vector<1x32768xf32> to vector<32768xf32>
    %swap3A_74 = arith.constant 393216 : index
    %swap3A_75 = vector.load %arg2[%swap3A_74] : memref<524288xf32, #tpu.memory_space<vmem>>, vector<32768xf32>
    tpu.vector_store %arg2[%swap3A_74], %get3A_73 {strides = array<i32>} : memref<524288xf32, #tpu.memory_space<vmem>>, vector<32768xf32>,
    %get3A_76 = arith.constant 13 : index
    %get3A_77 = arith.constant 0 : index
    %get3A_78 = vector.load %arg1[%get3A_76, %get3A_77] : memref<16x32768xf32, #tpu.memory_space<vmem>>, vector<1x32768xf32>
    %get3A_79 = vector.shape_cast %get3A_78 : vector<1x32768xf32> to vector<32768xf32>
    %swap3A_80 = arith.constant 425984 : index
    %swap3A_81 = vector.load %arg2[%swap3A_80] : memref<524288xf32, #tpu.memory_space<vmem>>, vector<32768xf32>
    tpu.vector_store %arg2[%swap3A_80], %get3A_79 {strides = array<i32>} : memref<524288xf32, #tpu.memory_space<vmem>>, vector<32768xf32>,
    %get3A_82 = arith.constant 14 : index
    %get3A_83 = arith.constant 0 : index
    %get3A_84 = vector.load %arg1[%get3A_82, %get3A_83] : memref<16x32768xf32, #tpu.memory_space<vmem>>, vector<1x32768xf32>
    %get3A_85 = vector.shape_cast %get3A_84 : vector<1x32768xf32> to vector<32768xf32>
    %swap3A_86 = arith.constant 458752 : index
    %swap3A_87 = vector.load %arg2[%swap3A_86] : memref<524288xf32, #tpu.memory_space<vmem>>, vector<32768xf32>
    tpu.vector_store %arg2[%swap3A_86], %get3A_85 {strides = array<i32>} : memref<524288xf32, #tpu.memory_space<vmem>>, vector<32768xf32>,
    %get3A_88 = arith.constant 15 : index
    %get3A_89 = arith.constant 0 : index
    %get3A_90 = vector.load %arg1[%get3A_88, %get3A_89] : memref<16x32768xf32, #tpu.memory_space<vmem>>, vector<1x32768xf32>
    %get3A_91 = vector.shape_cast %get3A_90 : vector<1x32768xf32> to vector<32768xf32>
    %swap3A_92 = arith.constant 491520 : index
    %swap3A_93 = vector.load %arg2[%swap3A_92] : memref<524288xf32, #tpu.memory_space<vmem>>, vector<32768xf32>
    tpu.vector_store %arg2[%swap3A_92], %get3A_91 {strides = array<i32>} : memref<524288xf32, #tpu.memory_space<vmem>>, vector<32768xf32>,
    return
  }
  func.func @transform_0(%arg0: i32) -> (i32, i32) {
    %c0_i32 = arith.constant 0 : i32
    %c0_i32_0 = arith.constant 0 : i32
    return %c0_i32, %arg0 : i32, i32
  }
  func.func @transform_1(%arg0: i32) -> i32 {
    %c0_i32 = arith.constant 0 : i32
    return %arg0 : i32
  }
}

</mosaic_0001>

<sc_bundles>
// kernel: kernel.5.cloned.1.call-start
scs
__scs_entry_jumppad:
0x0: {  	(pc) =	sbr.rel $0x88, $3  }
0x1: {  	(tag) =	ssettag $0x0;
	lr =	simm.s32 $0x1  }
0x2: {  	[smem:$0x3F9E] =	sst lr;
	_ =	strace $0xD0000000  }
0x3: {  	_ = 	snop  }
0x4: {  	_ = 	snop  }
0x5: {  	_ = 	snop  }
0x6: {  	_ = 	snop  }
0x7: {  	_ = 	snop  }
__scs_overlays_trampoline_lowered:
0x8: {  	[smem:$0x3FAD] =	sst s0  }
0x9: {  	[smem:$0x3FAE] =	sst s1  }
0xa: {  	[smem:$0x3FAF] =	sst s2  }
0xb: {  	[smem:$0x3FB0] =	sst s3  }
0xc: {  	[smem:$0x3FB1] =	sst s4  }
0xd: {  	[smem:$0x3FB2] =	sst s5  }
0xe: {  	[smem:$0x3FB3] =	sst s6  }
0xf: {  	[smem:$0x3FB4] =	sst s7  }
0x10: {  	[smem:$0x3FB5] =	sst s8  }
0x11: {  	[smem:$0x3FB6] =	sst s9;
	s0 =	simm.s32 @!p0 $0x0  }
0x12: {  	s1 =	sld [smem:$0x3F9C];
	s0 =	simm.s32 @p0 $0x1  }
0x13: {  	[smem:$0x3FB7] =	sst s0;
	s0 =	simm.s32 @!p1 $0x0  }
0x14: {  	s2 =	sld [smem:$0x3F9B];
	s0 =	simm.s32 @p1 $0x1  }
0x15: {  	[smem:$0x3FB8] =	sst s0;
	s0 =	simm.s32 @!p2 $0x0  }
0x16: {  	s3 =	sld [smem:$0x3FDB];
	s0 =	simm.s32 @p2 $0x1  }
0x17: {  	s4 =	simm.s32 $0x1BF5;
	[smem:$0x3FBA] =	sst s0  }
0x18: {  	s0 =	sld [smem:$0x3F9D];
	_ =	swait.ge [sflag:s4], $0x0  }
0x19: {  	s7 =	sld [smem:$0x3F9E]  }
0x1a: {  	s8 =	sadd.s32 $0xFFFFE003, lr  }
0x1b: {  	s9 =	sadd.s32 $0xFFFFFEF7, lr;
	s5 =	simm.s32 $0xFFFFFFFF;
	p2 =	slt.u32 s8, $0xFFFFF086  }
0x1c: {  	p1 =	slt.u32 s9, $0xF7A;
	s5 =	simm.s32 @!p2 $0x0  }
0x1d: {  	s5 =	simm.s32 @p1 $0x1;
	p0 =	seq.s32 s7, s2  }
0x1e: {  	s7 =	smul.u32 @!p0 $0xF7A, s2;
	p2 =	seq.s32 @!p0 s5, $0x0  }
0x1f: {  	s9 =	smul.u32 $0xF7A, s1;
	s8 =	simm.s32 @!p0 $0x1BF5;
	p2 =	por !p2, p0  }
0x20: {  	[sflag:s8] =	ssyncset.s32 @!p0 $0xFFFFF086;
	s6 =	sadd.s32 @!p0 s3, s7;
	s7 =	simm.s32 @!p0 $0x108  }
0x21: {  	s3 =	sadd.s32 s3, s9;
	s6 =	sadd.s32 @!p0 $0x88, s6;
	s7 =	simm.s32 @p2 $0x1082  }
0x22: {  	[simem:s7], [sflag:s8] =	dma.local @!p0 [hbm:s6], $0xF7A  }
0x23: {  	s9 =	sor.u32 $0xD0000000, s2;
	s6 =	simm.s32 $0x108;
	_ =	swait.ge @!p0 [sflag:s8], $0x0  }
0x24: {  	s3 =	sadd.s32 $0x88, s3;
	s6 =	simm.s32 @!p1 $0x1082;
	[sflag:s4] =	ssyncset.s32 $0xFFFFF086  }
0x25: {  	[simem:s6], [sflag:s4] =	dma.local [hbm:s3], $0xF7A  }
0x26: {  	[smem:$0x3F9E] =	sst s1;
	(tag) =	ssettag s2;
	_ =	strace s9  }
0x27: {  	s1 =	sld [smem:$0x3FAE]  }
0x28: {  	s2 =	sld [smem:$0x3FAF]  }
0x29: {  	s4 =	sld [smem:$0x3FB1]  }
0x2a: {  	p0 =	seq.s32 s5, $0x0;
	s5 =	sld [smem:$0x3FB2]  }
0x2b: {  	s6 =	sld [smem:$0x3FB3]  }
0x2c: {  	s7 =	sld [smem:$0x3FB4]  }
0x2d: {  	s3 =	simm.s32 $0x108;
	s8 =	sld [smem:$0x3FB5]  }
0x2e: {  	s3 =	simm.s32 @!p0 $0x1082;
	s9 =	sld [smem:$0x3FB6]  }
0x2f: {  	lr =	sadd.s32 s0, s3;
	s0 =	sld [smem:$0x3FAD]  }
0x30: {  	s3 =	sld [smem:$0x3FB0]  }
0x31: {  	[smem:$0x3FB9] =	sst s10  }
0x32: {  	s10 =	sld [smem:$0x3FB7];
	_ =	sdelay $0x3  }
0x33: {  	p0 =	seq.s32 s10, $0x1;
	s10 =	sld [smem:$0x3FB9];
	_ =	sdelay $0x3  }
0x34: {  	[smem:$0x3FB9] =	sst s10  }
0x35: {  	s10 =	sld [smem:$0x3FB8];
	_ =	sdelay $0x3  }
0x36: {  	p1 =	seq.s32 s10, $0x1;
	s10 =	sld [smem:$0x3FB9];
	_ =	sdelay $0x3  }
0x37: {  	[smem:$0x3FB9] =	sst s10  }
0x38: {  	s10 =	sld [smem:$0x3FBA]  }
0x39: {  	_ = 	snop;
	(pc) =	sbr.ind lr, $3  }
0x3a: {  	_ = 	snop  }
0x3b: {  	_ = 	snop  }
0x3c: {  	p2 =	seq.s32 s10, $0x1;
	s10 =	sld [smem:$0x3FB9]  }
0x3d: {  	_ =	shalt  }
0x3e: {  	_ =	shalt  }
0x3f: {  	_ =	shalt  }
0x40: {  	_ =	shalt  }
0x41: {  	_ =	shalt  }
0x42: {  	_ =	shalt  }
0x43: {  	_ =	shalt  }
0x44: {  	_ =	shalt  }
0x45: {  	_ =	shalt  }
0x46: {  	_ =	shalt  }
0x47: {  	_ =	shalt  }
0x48: {  	_ =	shalt  }
0x49: {  	_ =	shalt  }
0x4a: {  	_ =	shalt  }
0x4b: {  	_ =	shalt  }
0x4c: {  	_ =	shalt  }
0x4d: {  	_ =	shalt  }
0x4e: {  	_ =	shalt  }
0x4f: {  	_ =	shalt  }
0x50: {  	_ =	shalt  }
0x51: {  	_ =	shalt  }
0x52: {  	_ =	shalt  }
0x53: {  	_ =	shalt  }
0x54: {  	_ =	shalt  }
0x55: {  	_ =	shalt  }
0x56: {  	_ =	shalt  }
0x57: {  	_ =	shalt  }
0x58: {  	_ =	shalt  }
0x59: {  	_ =	shalt  }
0x5a: {  	_ =	shalt  }
0x5b: {  	_ =	shalt  }
0x5c: {  	_ =	shalt  }
0x5d: {  	_ =	shalt  }
0x5e: {  	_ =	shalt  }
0x5f: {  	_ =	shalt  }
0x60: {  	_ =	shalt  }
0x61: {  	_ =	shalt  }
0x62: {  	_ =	shalt  }
0x63: {  	_ =	shalt  }
0x64: {  	_ =	shalt  }
0x65: {  	_ =	shalt  }
0x66: {  	_ =	shalt  }
0x67: {  	_ =	shalt  }
0x68: {  	_ =	shalt  }
0x69: {  	_ =	shalt  }
0x6a: {  	_ =	shalt  }
0x6b: {  	_ =	shalt  }
0x6c: {  	_ =	shalt  }
0x6d: {  	_ =	shalt  }
0x6e: {  	_ =	shalt  }
0x6f: {  	_ =	shalt  }
0x70: {  	_ =	shalt  }
0x71: {  	_ =	shalt  }
0x72: {  	_ =	shalt  }
0x73: {  	_ =	shalt  }
0x74: {  	_ =	shalt  }
0x75: {  	_ =	shalt  }
0x76: {  	_ =	shalt  }
0x77: {  	_ =	shalt  }
0x78: {  	_ =	shalt  }
0x79: {  	_ =	shalt  }
0x7a: {  	_ =	shalt  }
0x7b: {  	_ =	shalt  }
0x7c: {  	_ =	shalt  }
0x7d: {  	_ =	shalt  }
0x7e: {  	_ =	shalt  }
0x7f: {  	_ =	shalt  }
0x80: {  	_ =	shalt  }
0x81: {  	_ =	shalt  }
0x82: {  	_ =	shalt  }
0x83: {  	_ =	shalt  }
0x84: {  	_ =	shalt  }
0x85: {  	_ =	shalt  }
0x86: {  	_ =	shalt  }
0x87: {  	_ =	shalt  }
.Lfunc_end0:
.L_simem_size_0:
called_computation_lowered:
.L_overlay_start_0:
0x88: {  	s2 =	sld [smem:$0x3FD9]  }
0x89: {  	s3 =	sld [smem:$0x3FFE];
	_ =	sdelay $0x1  }
0x8a: {  	s1 =	srdreg.scid  }
0x8b: {  	s0 =	sand.u32 $0x1, s1  }
0x8c: {  	s17 =	sshll.u32 s0, $0xA;
	s2 =	sadd.s32 s3, s2  }
0x8d: {  	s2 =	sadd.s32 s2, s17  }
0x8e: {  	[smem:$0x3FC5] =	sst s2  }
0x8f: {  	_ = 	snop  }
0x90: {  	s2 =	sld [smem:$0x3FD0];
	(tm) =	ssettm $0x1  }
0x91: {  	s18 =	sld [smem:$0x3FFB];
	_ =	sdelay $0x3  }
0x92: {  	_ =	strace s18  }
0x93: {  	s3 =	sld [smem:$0x3FFC];
	_ =	sdelay $0x3  }
0x94: {  	_ =	strace s3  }
0x95: {  	s3 =	sld [smem:$0x3FFD];
	_ =	sdelay $0x3  }
0x96: {  	_ =	strace s3  }
0x97: {  	_ =	strace $0x8FFFFFFF  }
0x98: {  	s19 =	sld [smem:$0x3FDB];
	_ =	sdelay $0x1  }
0x99: {  	s4 =	simm.s32 $_scs_section_size  }
0x9a: {  	s5 =	simm.s32 $_size__tile_overlayer_lowered;
	s6 =	simm.s32 $_tile_overlayer_lowered  }
0x9b: {  	s22 =	simm.s32 $0x1BFF;
	s21 =	sshll.u32 s6, $0x1;
	s3 =	sadd.s32 s4, s19  }
0x9c: {  	s7 =	simm.s32 $0x0;
	s20 =	sshll.u32 s5, $0x1;
	s5 =	sadd.s32 s21, s3  }
0x9d: {  	[timem:s7], [sflag:s22] =	dma.local [hbm:s5], s20  }
0x9e: {  	_ =	swait.ge [sflag:s22], s20  }
0x9f: {  	s4 =	ssub.s32 $0x0, s20;
	[sflag:s22] =	ssyncset.done $0x0  }
0xa0: {  	[sflag:s22] =	ssyncadd.s32 s4;
	_ =	sdelay $0x1  }
0xa1: {  	s23 =	simm.s32 $0x1B8B  }
0xa2: {  	_ =	swait.ge [sflag:s23], $0x1  }
0xa3: {  	[sflag:s23] =	ssyncset.done $0x0  }
0xa4: {  	s25 =	simm.s32 $0x1B8E;
	s24 =	sld [smem:$0x3FFE];
	[sflag:s23] =	ssyncadd.s32 $0xFFFFFFFF  }
0xa5: {  	s26 =	simm.s32 $execute0_lowered;
	[smem:$0x3FD2] =	sst s25  }
0xa6: {  	s5 =	sshll.u32 s26, $0x1;
	_ =	strace $0x80000046;
	[dreg:$0x1] =	wrdreg $0xFFFFFFFF  }
0xa7: {  	s28 =	simm.s32 $_size_execute0_lowered;
	s3 =	sadd.s32 s3, s5;
	[dreg:$0x0] =	wrdreg $0x0  }
0xa8: {  	s5 =	sshll.u32 s28, $0x1;
	[dreg:$0x2] =	wrdreg s3  }
0xa9: {  	[dreg:$0x3] =	wrdreg s5  }
0xaa: {  	[dreg:$0x4] =	wrdreg $0xC0  }
0xab: {  	_ =	task [dreg:s7], $0x5FFFF  }
0xac: {  	[dreg:$0x1] =	wrdreg $0xFFFFFFFF  }
0xad: {  	[dreg:$0x0] =	wrdreg $0x60  }
0xae: {  	[dreg:$0x2] =	wrdreg s24  }
0xaf: {  	[dreg:$0x3] =	wrdreg s2  }
0xb0: {  	[dreg:$0x4] =	wrdreg $0x110200  }
0xb1: {  	[dreg:$0x5] =	wrdreg $0x9  }
0xb2: {  	_ =	task.clear_ibuf [dreg:s7], $0x6FFFF;
	_ =	strace $0x90000046  }
0xb3: {  	s29 =	simm.s32 $0x9;
	_ =	strace $0x80000048  }
0xb4: {  	_ =	swait.ge [sflag:s29], $0x1  }
0xb5: {  	[sflag:s29] =	ssyncadd.s32 $0xFFFFFFFF  }
0xb6: {  	_ =	strace $0x90000048  }
0xb7: {  	_ =	sfence  }
0xb8: {  	s30 =	sld [smem:$0x0];
	_ =	sdelay $0x2  }
0xb9: {  	s31 =	sshll.u32 s1, $0xD;
	s1 =	sshrl.u32 s1, $0x2  }
0xba: {  	s3 =	sand.u32 $0x4000, s31;
	s1 =	sadd.s32 s1, s30  }
0xbb: {  	s0 =	sor.u32 s3, s0;
	s1 =	sshll.u32 s1, $0x11  }
0xbc: {  	s0 =	sor.u32 s1, s0  }
0xbd: {  	s0 =	sadd.s32 $0x8F2B, s0  }
0xbe: {  	[sflag:s0] =	ssyncadd.remote.s32 $0x1  }
0xbf: {  	_ =	sfence.sel $0xFFFF  }
0xc0: {  	[dreg:$0x0] =	wrdreg $0xFFFFFFFF;
	(pc) =	sbr.abs _section_cstart, $3  }
0xc1: {  	[dreg:$0x1] =	wrdreg $0xFFFFFFFF  }
0xc2: {  	_ =	task.clear_ibuf [dreg:s7], $0x2FFFF;
	_ =	strace $0x9FFFFFFF  }
0xc3: {  	(tm) =	ssettm $0x7FFFFFFF  }
tec
execute0_lowered:
.L_overlay_start_1:
0x0: {  	(tag) =	ssettag $0x1  }
0x1: {  	s5 =	rddreg [dreg:$0x0]  }
0x2: {  	s0 =	srdreg.scid;
	s15 =	rddreg [dreg:$0x1]  }
0x3: {  	s11 =	rddreg [dreg:$0x2];
	s2 =	simm.s32 $0x0;
	s3 =	simm.s32 $0x1  }
0x4: {  	s19 =	simm.s32 $0x2;
	s20 =	simm.s32 $0x11000;
	s21 =	simm.s32 $0x3  }
0x5: {  	s22 =	simm.s32 $0x11010;
	s23 =	simm.s32 $0x10000;
	s30 =	simm.s32 $0x0  }
0x6: {  	s4 =	sand.u32 $0x1, s0;
	s0 =	stileid.u32;
	[smem:$0x7FF] =	sst s2  }
0x7: {  	s1 =	sshll.u32 s4, $0x4;
	s24 =	sand.u32 $0x1, s0;
	s4 =	ssub.s32 $0x2, s4  }
0x8: {  	s10 =	sshll.u32 s0, $0x5;
	s16 =	sor.u32 s0, s1;
	p1 =	seq.s32 s24, $0x1  }
0x9: {  	v0 =	vimm.s32 $0x76543210;
	s1 =	rddreg [dreg:$0x3];
	s7 =	smul.u32 $0xF0, s24;
	_ =	strace $0x80000047  }
0xa: {  	v1 =	vimm.s32 $0xFEDCBA98;
	v2 =	vimm.s32 $0xBA98FEDC;
	s9 =	sshrl.u32 s4, $0x1;
	s28 =	smul.u32 $0xF, s24;
	s13 =	sxor.u32 $0x20, s10  }
0xb: {  	v3 =	vimm.s32 $0x32107654;
	v4 =	vimm.s32 $0xDCFE98BA;
	v5 =	vimm.s32 $0x54761032;
	s10 =	sadd.s32 s10, s11;
	p0 =	seq.s32 s16, $0x0;
	s6 =	sshrl.u32 s16, $0x1  }
0xc: {  	v6 =	vimm.s32 $0xEFCDAB89;
	v7 =	vimm.s32 $0x67452301;
	s25 =	sshll.u32 s16, $0x9;
	s18 =	ssub.s32 s4, s9;
	s4 =	simm.s32 $0x1  }
0xd: {  	v0 =	vunpack.c.l.s4.s8 v0;
	v1 =	vunpack.c.l.s4.s8 v1;
	v2 =	vunpack.c.l.s4.s8 v2;
	s11 =	sadd.s32 s13, s11;
	s13 =	sadd.s32 $0x10, s10;
	s15 =	sadd.s32 s15, s16  }
0xe: {  	v3 =	vunpack.c.l.s4.s8 v3;
	v4 =	vunpack.c.l.s4.s8 v4;
	v5 =	vunpack.c.l.s4.s8 v5;
	p0 =	por !p0, !p1;
	s17 =	sadd.s32 s25, s5;
	s9 =	sadd.s32 $0x3, s28  }
0xf: {  	v6 =	vunpack.c.l.s4.s8 v6;
	v7 =	vunpack.c.l.s4.s8 v7;
	v2 =	vunpack.c.0.s8.s32 v2;
	s14 =	sadd.s32 $0x10, s11;
	p1 =	seq.s32 s24, $0x0;
	p0 =	por !p0, !p0  }
0x10: {  	v3 =	vunpack.c.0.s8.s32 v3;
	v4 =	vunpack.c.0.s8.s32 v4;
	v5 =	vunpack.c.0.s8.s32 v5;
	s16 =	sadd.s32 $0x1F0C00, s17;
	s17 =	smax.u32 s18, $0x1;
	s3 =	simm.s32 @!p0 $0x0  }
0x11: {  	v1 =	vunpack.c.0.s8.s32 v1;
	v6 =	vunpack.c.0.s8.s32 v6;
	v7 =	vunpack.c.0.s8.s32 v7;
	s18 =	simm.s32 $0x8000;
	p0 =	sne.s32 s24, $0x0;
	s8 =	ssub.s32 s6, s3  }
.Ltmp0:
0x12: {  	v0 =	vunpack.c.0.s8.s32 v0;
	v2 =	vcombine.low v3, v2;
	s24 =	simm.s32 $0x0;
	s6 =	sadd.s32 s7, s8;
	(pc) =	sbr.rel .LBB2_1-.Ltmp0, $4  }
0x13: {  	v3 =	vcombine.low v5, v4;
	v1 =	vand.u32 $0xF, v1;
	v4 =	vcombine.low v7, v6;
	s3 =	sadd.s32 $0xC00, s5;
	s8 =	sshll.u32 s8, $0xF;
	s6 =	sshll.u32 s6, $0xC  }
0x14: {  	v5 =	vlaneseq.u32;
	v6 =	vimm.f32 $1.000000000e+00;
	v0 =	vcombine.low v1, v0;
	s7 =	sadd.s32 $0x2, s28;
	s12 =	sadd.s32 $0xF00000, s8;
	s26 =	sadd.s32 $0x10000, s6  }
0x15: {  	v1 =	vand.u32 $0xF, v2;
	v2 =	vand.u32 $0xF, v3;
	v3 =	vand.u32 $0xF, v4;
	s29 =	sand.u32 $0x1FFFF000, s6;
	s12 =	sshrl.u32 s12, $0x3;
	s31 =	sand.u32 $0x1FFFF000, s26  }
0x16: {  	v4 =	vimm.f32 $0.0e+00;
	vm0 =	vcmask @!p0 $0x3F08;
	vm1 =	vmmov @!p0 $0x1;
	s5 =	sadd.s32 s3, s29;
	s12 =	sadd.s32 s3, s12;
	s6 =	sadd.s32 s3, s31  }
.LBB2_27:
0x17: {  	s24 =	sadd.s32 $0x1, s24  }
0x18: {  	p2 =	sne.s32 s24, s17  }
.Ltmp1:
0x19: {  	_ = 	snop;
	(pc) =	sbr.rel @!p2 .LBB2_28-.Ltmp1, $4  }
0x1a: {  	[hbm4b:s16+s2] =	stream.linear.scatter [tilespmem:s23], [sflag:$0x3], $0x1000, $0x38;
	[tilespmem:$0x11040] =	vst v63  }
0x1b: {  	_ =	swait.ge [sflag:s21], $0x1000  }
0x1c: {  	[sflag:s21] =	ssyncset.done $0x0  }
0x1d: {  	[sflag:s21] =	ssyncadd.s32 $0xFFFFF000  }
.LBB2_1:
0x1e: {  	[tilespmem:s2], [sflag:$0x1] =	stream.linear.gather [hbm4b:s5+s2], $0x8000, $0x38;
	[tilespmem:$0x11040] =	vst v63  }
0x1f: {  	s25 =	simm.s32 $0x0  }
0x20: {  	v8 =	vimm.f32 $+Inf;
	v7 =	vimm.f32 $-Inf;
	[tilespmem:s18], [sflag:$0x2] =	stream.linear.gather [hbm4b:s6+s2], $0x8000, $0x38;
	[tilespmem:$0x11040] =	vst v63  }
.LBB2_2:
0x21: {  	_ =	swait.ge [sflag:s4], $0x8000  }
0x22: {  	[sflag:s4] =	ssyncset.done $0x0  }
0x23: {  	s29 =	simm.s32 $0x0;
	[sflag:s4] =	ssyncadd.s32 $0xFFFF8000  }
0x24: {  	v9 =	vld [tilespmem:s29+$0x0]  }
0x25: {  	v10 =	vld [tilespmem:s29+$0x10]  }
0x26: {  	v11 =	vld [tilespmem:s29+$0x20]  }
0x27: {  	v12 =	vld [tilespmem:s29+$0x30]  }
0x28: {  	v13 =	vld [tilespmem:s29+$0x40]  }
0x29: {  	v8 =	vmin.f32 v8, v9;
	v7 =	vmax.f32 v7, v9;
	v9 =	vld [tilespmem:s29+$0x50]  }
0x2a: {  	v8 =	vmin.f32 v8, v10;
	v7 =	vmax.f32 v7, v10;
	v10 =	vld [tilespmem:s29+$0x60]  }
0x2b: {  	v8 =	vmin.f32 v8, v11;
	v7 =	vmax.f32 v7, v11;
	v11 =	vld [tilespmem:s29+$0x70]  }
0x2c: {  	v8 =	vmin.f32 v8, v12;
	v7 =	vmax.f32 v7, v12;
	v12 =	vld [tilespmem:s29+$0x80]  }
0x2d: {  	v8 =	vmin.f32 v8, v13;
	v7 =	vmax.f32 v7, v13;
	v13 =	vld [tilespmem:s29+$0x90]  }
0x2e: {  	v14 =	vld [tilespmem:s29+$0xA0];
	v8 =	vmin.f32 v8, v9;
	v7 =	vmax.f32 v7, v9  }
0x2f: {  	v8 =	vmin.f32 v8, v10;
	v9 =	vmax.f32 v7, v10;
	v7 =	vld [tilespmem:s29+$0xB0]  }
0x30: {  	v10 =	vmin.f32 v8, v11;
	v9 =	vmax.f32 v9, v11;
	v8 =	vld [tilespmem:s29+$0xC0]  }
0x31: {  	v10 =	vmin.f32 v10, v12;
	v11 =	vmax.f32 v9, v12;
	v9 =	vld [tilespmem:s29+$0xD0]  }
0x32: {  	v12 =	vmin.f32 v10, v13;
	v11 =	vmax.f32 v11, v13;
	v10 =	vld [tilespmem:s29+$0xE0]  }
0x33: {  	s28 =	simm.s32 $0x100;
	s26 =	simm.s32 $0x800;
	v12 =	vmin.f32 v12, v14;
	v13 =	vmax.f32 v11, v14;
	v11 =	vld [tilespmem:s29+$0xF0]  }
.LBB2_3:
0x34: {  	p2 =	sne.s32 s26, $0x1FC00;
	v14 =	vld [tilespmem:s28+$0x0];
	v12 =	vmin.f32 v12, v7;
	v7 =	vmax.f32 v13, v7  }
0x35: {  	v13 =	vld [tilespmem:s28+$0x10];
	v12 =	vmin.f32 v12, v8;
	v7 =	vmax.f32 v7, v8  }
0x36: {  	v8 =	vld [tilespmem:s28+$0x20];
	v12 =	vmin.f32 v12, v9;
	v7 =	vmax.f32 v7, v9  }
0x37: {  	v9 =	vld [tilespmem:s28+$0x30];
	v12 =	vmin.f32 v12, v10;
	v7 =	vmax.f32 v7, v10  }
0x38: {  	v10 =	vld [tilespmem:s28+$0x40];
	v12 =	vmin.f32 v12, v11;
	v7 =	vmax.f32 v7, v11  }
0x39: {  	v11 =	vmin.f32 v12, v14;
	v7 =	vmax.f32 v7, v14;
	v12 =	vld [tilespmem:s28+$0x50]  }
0x3a: {  	v11 =	vmin.f32 v11, v13;
	v7 =	vmax.f32 v7, v13;
	v13 =	vld [tilespmem:s28+$0x60]  }
0x3b: {  	v11 =	vmin.f32 v11, v8;
	v7 =	vmax.f32 v7, v8;
	v8 =	vld [tilespmem:s28+$0x70]  }
0x3c: {  	v11 =	vmin.f32 v11, v9;
	v7 =	vmax.f32 v7, v9;
	v9 =	vld [tilespmem:s28+$0x80]  }
0x3d: {  	v11 =	vmin.f32 v11, v10;
	v7 =	vmax.f32 v7, v10;
	v10 =	vld [tilespmem:s28+$0x90]  }
0x3e: {  	v11 =	vmin.f32 v11, v12;
	v7 =	vmax.f32 v7, v12;
	v14 =	vld [tilespmem:s28+$0xA0]  }
.Ltmp2:
0x3f: {  	v11 =	vmin.f32 v11, v13;
	v12 =	vmax.f32 v7, v13;
	v7 =	vld [tilespmem:s28+$0xB0];
	(pc) =	sbr.rel @p2 .LBB2_3-.Ltmp2, $4  }
0x40: {  	v11 =	vmin.f32 v11, v8;
	v12 =	vmax.f32 v12, v8;
	v8 =	vld [tilespmem:s28+$0xC0]  }
0x41: {  	v11 =	vmin.f32 v11, v9;
	v12 =	vmax.f32 v12, v9;
	v9 =	vld [tilespmem:s28+$0xD0]  }
0x42: {  	v11 =	vmin.f32 v11, v10;
	v13 =	vmax.f32 v12, v10;
	v10 =	vld [tilespmem:s28+$0xE0]  }
0x43: {  	v12 =	vmin.f32 v11, v14;
	v13 =	vmax.f32 v13, v14;
	v11 =	vld [tilespmem:s28+$0xF0];
	s28 =	sshra.s32 s26, $0x2;
	s26 =	sadd.s32 $0x400, s26  }
0x44: {  	v14 =	vld [tilespmem:s28+$0x0]  }
0x45: {  	v15 =	vld [tilespmem:s28+$0x10]  }
0x46: {  	v16 =	vld [tilespmem:s28+$0x20]  }
0x47: {  	v17 =	vld [tilespmem:s28+$0x30]  }
0x48: {  	v12 =	vmin.f32 v12, v7;
	v7 =	vmax.f32 v13, v7;
	v13 =	vld [tilespmem:s28+$0x40]  }
0x49: {  	v62 =	vld [tilespmem:s28+$0xB0];
	v12 =	vmin.f32 v12, v8;
	v7 =	vmax.f32 v7, v8  }
0x4a: {  	v63 =	vld [tilespmem:s28+$0xC0];
	v12 =	vmin.f32 v12, v9;
	v7 =	vmax.f32 v7, v9  }
0x4b: {  	v8 =	vld [tilespmem:s28+$0x50];
	v12 =	vmin.f32 v12, v10;
	v7 =	vmax.f32 v7, v10  }
0x4c: {  	v9 =	vld [tilespmem:s28+$0x60];
	v12 =	vmin.f32 v12, v11;
	v7 =	vmax.f32 v7, v11  }
0x4d: {  	v10 =	vld [tilespmem:s28+$0x70];
	v12 =	vmin.f32 v12, v14;
	v7 =	vmax.f32 v7, v14  }
0x4e: {  	s26 =	sshll.u32 s25, $0x1;
	v11 =	vld [tilespmem:s28+$0x80];
	v12 =	vmin.f32 v12, v15;
	v7 =	vmax.f32 v7, v15  }
0x4f: {  	s29 =	sadd.s32 s26, s7;
	v14 =	vld [tilespmem:s28+$0x90];
	v12 =	vmin.f32 v12, v16;
	v7 =	vmax.f32 v7, v16  }
0x50: {  	s29 =	sshll.u32 s29, $0x13;
	v15 =	vld [tilespmem:s28+$0xA0];
	v12 =	vmin.f32 v12, v17;
	v7 =	vmax.f32 v7, v17  }
0x51: {  	s29 =	sadd.s32 s8, s29;
	v12 =	vmin.f32 v12, v13;
	v7 =	vmax.f32 v7, v13;
	v13 =	vld [tilespmem:s28+$0xD0]  }
0x52: {  	s29 =	sshrl.u32 s29, $0x3;
	v12 =	vmin.f32 v12, v8;
	v7 =	vmax.f32 v7, v8;
	v8 =	vld [tilespmem:s28+$0xE0]  }
0x53: {  	v12 =	vmin.f32 v12, v9;
	v7 =	vmax.f32 v7, v9;
	v9 =	vld [tilespmem:s28+$0xF0];
	s28 =	sadd.s32 s3, s29;
	s29 =	simm.s32 $0x0  }
0x54: {  	v12 =	vmin.f32 v12, v10;
	v7 =	vmax.f32 v7, v10;
	[tilespmem:s29], [sflag:$0x1] =	stream.linear.gather [hbm4b:s28+s29], $0x8000, $0x38;
	[tilespmem:$0x11040] =	vst v63  }
0x55: {  	v10 =	vmin.f32 v12, v11;
	v7 =	vmax.f32 v7, v11;
	_ =	swait.ge [sflag:s19], $0x8000  }
0x56: {  	v10 =	vmin.f32 v10, v14;
	v7 =	vmax.f32 v7, v14;
	[sflag:s19] =	ssyncset.done $0x0  }
0x57: {  	v10 =	vmin.f32 v10, v15;
	v7 =	vmax.f32 v7, v15;
	[sflag:s19] =	ssyncadd.s32 $0xFFFF8000  }
0x58: {  	v10 =	vmin.f32 v10, v62;
	v7 =	vmax.f32 v7, v62;
	v11 =	vld [tilespmem:s30+$0x8000]  }
0x59: {  	v12 =	vld [tilespmem:s30+$0x8010];
	v10 =	vmin.f32 v10, v63;
	v7 =	vmax.f32 v7, v63  }
0x5a: {  	v10 =	vmin.f32 v10, v13;
	v7 =	vmax.f32 v7, v13;
	v13 =	vld [tilespmem:s30+$0x8020]  }
0x5b: {  	v10 =	vmin.f32 v10, v8;
	v7 =	vmax.f32 v7, v8;
	v8 =	vld [tilespmem:s30+$0x8030]  }
0x5c: {  	v10 =	vmin.f32 v10, v9;
	v7 =	vmax.f32 v7, v9;
	v9 =	vld [tilespmem:s30+$0x8040]  }
0x5d: {  	v10 =	vmin.f32 v10, v11;
	v7 =	vmax.f32 v7, v11;
	v11 =	vld [tilespmem:s30+$0x8050]  }
0x5e: {  	v10 =	vmin.f32 v10, v12;
	v7 =	vmax.f32 v7, v12;
	v12 =	vld [tilespmem:s30+$0x8060]  }
0x5f: {  	v10 =	vmin.f32 v10, v13;
	v7 =	vmax.f32 v7, v13;
	v13 =	vld [tilespmem:s30+$0x8070]  }
0x60: {  	v14 =	vld [tilespmem:s30+$0x8080];
	v10 =	vmin.f32 v10, v8;
	v7 =	vmax.f32 v7, v8  }
0x61: {  	v8 =	vmin.f32 v10, v9;
	v7 =	vmax.f32 v7, v9;
	v10 =	vld [tilespmem:s30+$0x8090]  }
0x62: {  	v8 =	vmin.f32 v8, v11;
	v7 =	vmax.f32 v7, v11;
	v11 =	vld [tilespmem:s30+$0x80A0]  }
0x63: {  	v8 =	vmin.f32 v8, v12;
	v9 =	vmax.f32 v7, v12;
	v7 =	vld [tilespmem:s30+$0x80B0]  }
0x64: {  	v12 =	vmin.f32 v8, v13;
	v9 =	vmax.f32 v9, v13;
	v8 =	vld [tilespmem:s30+$0x80C0]  }
0x65: {  	v12 =	vmin.f32 v12, v14;
	v13 =	vmax.f32 v9, v14;
	v9 =	vld [tilespmem:s30+$0x80D0]  }
0x66: {  	v12 =	vmin.f32 v12, v10;
	v13 =	vmax.f32 v13, v10;
	v10 =	vld [tilespmem:s30+$0x80E0]  }
0x67: {  	s28 =	simm.s32 $0x100;
	s29 =	simm.s32 $0x800;
	v12 =	vmin.f32 v12, v11;
	v13 =	vmax.f32 v13, v11;
	v11 =	vld [tilespmem:s30+$0x80F0]  }
.LBB2_5:
0x68: {  	p2 =	sne.s32 s29, $0x1FC00;
	v14 =	vld [tilespmem:s28+$0x8000];
	v12 =	vmin.f32 v12, v7;
	v7 =	vmax.f32 v13, v7  }
0x69: {  	v13 =	vld [tilespmem:s28+$0x8010];
	v12 =	vmin.f32 v12, v8;
	v7 =	vmax.f32 v7, v8  }
0x6a: {  	v8 =	vld [tilespmem:s28+$0x8020];
	v12 =	vmin.f32 v12, v9;
	v7 =	vmax.f32 v7, v9  }
0x6b: {  	v9 =	vld [tilespmem:s28+$0x8030];
	v12 =	vmin.f32 v12, v10;
	v7 =	vmax.f32 v7, v10  }
0x6c: {  	v10 =	vld [tilespmem:s28+$0x8040];
	v12 =	vmin.f32 v12, v11;
	v7 =	vmax.f32 v7, v11  }
0x6d: {  	v11 =	vmin.f32 v12, v14;
	v7 =	vmax.f32 v7, v14;
	v12 =	vld [tilespmem:s28+$0x8050]  }
0x6e: {  	v11 =	vmin.f32 v11, v13;
	v7 =	vmax.f32 v7, v13;
	v13 =	vld [tilespmem:s28+$0x8060]  }
0x6f: {  	v11 =	vmin.f32 v11, v8;
	v7 =	vmax.f32 v7, v8;
	v8 =	vld [tilespmem:s28+$0x8070]  }
0x70: {  	v11 =	vmin.f32 v11, v9;
	v7 =	vmax.f32 v7, v9;
	v9 =	vld [tilespmem:s28+$0x8080]  }
0x71: {  	v11 =	vmin.f32 v11, v10;
	v7 =	vmax.f32 v7, v10;
	v10 =	vld [tilespmem:s28+$0x8090]  }
0x72: {  	v11 =	vmin.f32 v11, v12;
	v7 =	vmax.f32 v7, v12;
	v14 =	vld [tilespmem:s28+$0x80A0]  }
.Ltmp3:
0x73: {  	v11 =	vmin.f32 v11, v13;
	v12 =	vmax.f32 v7, v13;
	v7 =	vld [tilespmem:s28+$0x80B0];
	(pc) =	sbr.rel @p2 .LBB2_5-.Ltmp3, $4  }
0x74: {  	v11 =	vmin.f32 v11, v8;
	v12 =	vmax.f32 v12, v8;
	v8 =	vld [tilespmem:s28+$0x80C0]  }
0x75: {  	v11 =	vmin.f32 v11, v9;
	v12 =	vmax.f32 v12, v9;
	v9 =	vld [tilespmem:s28+$0x80D0]  }
0x76: {  	v11 =	vmin.f32 v11, v10;
	v13 =	vmax.f32 v12, v10;
	v10 =	vld [tilespmem:s28+$0x80E0]  }
0x77: {  	v12 =	vmin.f32 v11, v14;
	v13 =	vmax.f32 v13, v14;
	v11 =	vld [tilespmem:s28+$0x80F0];
	s28 =	sshra.s32 s29, $0x2;
	s29 =	sadd.s32 $0x400, s29  }
0x78: {  	v14 =	vld [tilespmem:s28+$0x8000];
	v12 =	vmin.f32 v12, v7;
	v7 =	vmax.f32 v13, v7  }
0x79: {  	v58 =	vld [tilespmem:s28+$0x8010];
	v12 =	vmin.f32 v12, v8;
	v7 =	vmax.f32 v7, v8  }
0x7a: {  	v8 =	vld [tilespmem:s28+$0x8020];
	v12 =	vmin.f32 v12, v9;
	v7 =	vmax.f32 v7, v9  }
0x7b: {  	v9 =	vld [tilespmem:s28+$0x8030];
	v12 =	vmin.f32 v12, v10;
	v7 =	vmax.f32 v7, v10  }
0x7c: {  	v10 =	vld [tilespmem:s28+$0x8040];
	v12 =	vmin.f32 v12, v11;
	v7 =	vmax.f32 v7, v11  }
0x7d: {  	v59 =	vld [tilespmem:s28+$0x8050];
	v11 =	vmin.f32 v12, v14;
	v7 =	vmax.f32 v7, v14  }
0x7e: {  	v60 =	vld [tilespmem:s28+$0x8060];
	v11 =	vmin.f32 v11, v58;
	v7 =	vmax.f32 v7, v58  }
0x7f: {  	v11 =	vmin.f32 v11, v8;
	v7 =	vmax.f32 v7, v8;
	v8 =	vld [tilespmem:s28+$0x8070]  }
0x80: {  	v11 =	vmin.f32 v11, v9;
	v7 =	vmax.f32 v7, v9;
	v9 =	vld [tilespmem:s28+$0x8080]  }
0x81: {  	v11 =	vmin.f32 v11, v10;
	v7 =	vmax.f32 v7, v10;
	v10 =	vld [tilespmem:s28+$0x8090]  }
0x82: {  	v61 =	vld [tilespmem:s28+$0x80A0];
	v11 =	vmin.f32 v11, v59;
	v7 =	vmax.f32 v7, v59  }
0x83: {  	v62 =	vld [tilespmem:s28+$0x80B0];
	v11 =	vmin.f32 v11, v60;
	v7 =	vmax.f32 v7, v60  }
0x84: {  	v11 =	vmin.f32 v11, v8;
	v7 =	vmax.f32 v7, v8;
	v8 =	vld [tilespmem:s28+$0x80C0]  }
0x85: {  	v11 =	vmin.f32 v11, v9;
	v7 =	vmax.f32 v7, v9;
	v9 =	vld [tilespmem:s28+$0x80D0]  }
0x86: {  	v11 =	vmin.f32 v11, v10;
	v7 =	vmax.f32 v7, v10;
	v10 =	vld [tilespmem:s28+$0x80E0]  }
0x87: {  	v63 =	vld [tilespmem:s28+$0x80F0];
	p2 =	seq.s32 s25, $0x6;
	v11 =	vmin.f32 v11, v61;
	v7 =	vmax.f32 v7, v61  }
.Ltmp4:
0x88: {  	v11 =	vmin.f32 v11, v62;
	v7 =	vmax.f32 v7, v62;
	(pc) =	sbr.rel @p2 .LBB2_8-.Ltmp4, $4  }
0x89: {  	v11 =	vmin.f32 v11, v8;
	v7 =	vmax.f32 v7, v8  }
0x8a: {  	v8 =	vmin.f32 v11, v9;
	v7 =	vmax.f32 v7, v9  }
0x8b: {  	v8 =	vmin.f32 v8, v10;
	v7 =	vmax.f32 v7, v10  }
0x8c: {  	v8 =	vmin.f32 v8, v63;
	v7 =	vmax.f32 v7, v63  }
0x8d: {  	s26 =	sadd.s32 s26, s9  }
.Ltmp5:
0x8e: {  	s26 =	sshll.u32 s26, $0x13;
	(pc) =	sbr.rel .LBB2_2-.Ltmp5, $4  }
0x8f: {  	s26 =	sadd.s32 s8, s26  }
0x90: {  	s26 =	sshrl.u32 s26, $0x3  }
0x91: {  	s25 =	sadd.s32 $0x1, s25;
	s26 =	sadd.s32 s3, s26  }
0x92: {  	[tilespmem:s18], [sflag:$0x2] =	stream.linear.gather [hbm4b:s26+s2], $0x8000, $0x38;
	[tilespmem:$0x11040] =	vst v63  }
.LBB2_8:
0x93: {  	_ =	swait.ge [sflag:s4], $0x8000  }
0x94: {  	[sflag:s4] =	ssyncset.done $0x0  }
0x95: {  	s25 =	simm.s32 $0x0;
	s28 =	simm.s32 $0x0;
	[sflag:s4] =	ssyncadd.s32 $0xFFFF8000  }
0x96: {  	[tilespmem:s18], [sflag:$0x2] =	stream.linear.gather [hbm4b:s12+s25], $0x4240, $0x38;
	[tilespmem:$0x11040] =	vst v63  }
0x97: {  	v9 =	vld [tilespmem:s28+$0x0]  }
0x98: {  	v10 =	vld [tilespmem:s28+$0x10]  }
0x99: {  	v11 =	vld [tilespmem:s28+$0x20]  }
0x9a: {  	v12 =	vld [tilespmem:s28+$0x30]  }
0x9b: {  	v13 =	vld [tilespmem:s28+$0x40]  }
0x9c: {  	v8 =	vmin.f32 v8, v9;
	v7 =	vmax.f32 v7, v9;
	v9 =	vld [tilespmem:s28+$0x50]  }
0x9d: {  	v8 =	vmin.f32 v8, v10;
	v7 =	vmax.f32 v7, v10;
	v10 =	vld [tilespmem:s28+$0x60]  }
0x9e: {  	v8 =	vmin.f32 v8, v11;
	v7 =	vmax.f32 v7, v11;
	v11 =	vld [tilespmem:s28+$0x70]  }
0x9f: {  	v8 =	vmin.f32 v8, v12;
	v7 =	vmax.f32 v7, v12;
	v12 =	vld [tilespmem:s28+$0x80]  }
0xa0: {  	v8 =	vmin.f32 v8, v13;
	v7 =	vmax.f32 v7, v13;
	v13 =	vld [tilespmem:s28+$0x90]  }
0xa1: {  	v14 =	vld [tilespmem:s28+$0xA0];
	v8 =	vmin.f32 v8, v9;
	v7 =	vmax.f32 v7, v9  }
0xa2: {  	v8 =	vmin.f32 v8, v10;
	v9 =	vmax.f32 v7, v10;
	v7 =	vld [tilespmem:s28+$0xB0]  }
0xa3: {  	v10 =	vmin.f32 v8, v11;
	v9 =	vmax.f32 v9, v11;
	v8 =	vld [tilespmem:s28+$0xC0]  }
0xa4: {  	v10 =	vmin.f32 v10, v12;
	v11 =	vmax.f32 v9, v12;
	v9 =	vld [tilespmem:s28+$0xD0]  }
0xa5: {  	v12 =	vmin.f32 v10, v13;
	v11 =	vmax.f32 v11, v13;
	v10 =	vld [tilespmem:s28+$0xE0]  }
0xa6: {  	s26 =	simm.s32 $0x800;
	s25 =	simm.s32 $0x100;
	v12 =	vmin.f32 v12, v14;
	v13 =	vmax.f32 v11, v14;
	v11 =	vld [tilespmem:s28+$0xF0]  }
.LBB2_9:
0xa7: {  	p2 =	sne.s32 s26, $0x1FC00;
	v14 =	vld [tilespmem:s25+$0x0];
	v12 =	vmin.f32 v12, v7;
	v7 =	vmax.f32 v13, v7  }
0xa8: {  	v13 =	vld [tilespmem:s25+$0x10];
	v12 =	vmin.f32 v12, v8;
	v7 =	vmax.f32 v7, v8  }
0xa9: {  	v8 =	vld [tilespmem:s25+$0x20];
	v12 =	vmin.f32 v12, v9;
	v7 =	vmax.f32 v7, v9  }
0xaa: {  	v9 =	vld [tilespmem:s25+$0x30];
	v12 =	vmin.f32 v12, v10;
	v7 =	vmax.f32 v7, v10  }
0xab: {  	v10 =	vld [tilespmem:s25+$0x40];
	v12 =	vmin.f32 v12, v11;
	v7 =	vmax.f32 v7, v11  }
0xac: {  	v11 =	vmin.f32 v12, v14;
	v7 =	vmax.f32 v7, v14;
	v12 =	vld [tilespmem:s25+$0x50]  }
0xad: {  	v11 =	vmin.f32 v11, v13;
	v7 =	vmax.f32 v7, v13;
	v13 =	vld [tilespmem:s25+$0x60]  }
0xae: {  	v11 =	vmin.f32 v11, v8;
	v7 =	vmax.f32 v7, v8;
	v8 =	vld [tilespmem:s25+$0x70]  }
0xaf: {  	v11 =	vmin.f32 v11, v9;
	v7 =	vmax.f32 v7, v9;
	v9 =	vld [tilespmem:s25+$0x80]  }
0xb0: {  	v11 =	vmin.f32 v11, v10;
	v7 =	vmax.f32 v7, v10;
	v10 =	vld [tilespmem:s25+$0x90]  }
0xb1: {  	v11 =	vmin.f32 v11, v12;
	v7 =	vmax.f32 v7, v12;
	v14 =	vld [tilespmem:s25+$0xA0]  }
.Ltmp6:
0xb2: {  	v11 =	vmin.f32 v11, v13;
	v12 =	vmax.f32 v7, v13;
	v7 =	vld [tilespmem:s25+$0xB0];
	(pc) =	sbr.rel @p2 .LBB2_9-.Ltmp6, $4  }
0xb3: {  	v11 =	vmin.f32 v11, v8;
	v12 =	vmax.f32 v12, v8;
	v8 =	vld [tilespmem:s25+$0xC0]  }
0xb4: {  	v11 =	vmin.f32 v11, v9;
	v12 =	vmax.f32 v12, v9;
	v9 =	vld [tilespmem:s25+$0xD0]  }
0xb5: {  	v11 =	vmin.f32 v11, v10;
	v13 =	vmax.f32 v12, v10;
	v10 =	vld [tilespmem:s25+$0xE0]  }
0xb6: {  	v12 =	vmin.f32 v11, v14;
	v13 =	vmax.f32 v13, v14;
	v11 =	vld [tilespmem:s25+$0xF0];
	s25 =	sshra.s32 s26, $0x2;
	s26 =	sadd.s32 $0x400, s26  }
0xb7: {  	v14 =	vld [tilespmem:s25+$0x0]  }
0xb8: {  	v15 =	vld [tilespmem:s25+$0x10];
	v12 =	vmin.f32 v12, v7;
	v7 =	vmax.f32 v13, v7  }
0xb9: {  	v13 =	vld [tilespmem:s25+$0x20];
	v12 =	vmin.f32 v12, v8;
	v7 =	vmax.f32 v7, v8  }
0xba: {  	v8 =	vld [tilespmem:s25+$0x30];
	v12 =	vmin.f32 v12, v9;
	v7 =	vmax.f32 v7, v9  }
0xbb: {  	v9 =	vld [tilespmem:s25+$0x40];
	v12 =	vmin.f32 v12, v10;
	v7 =	vmax.f32 v7, v10  }
0xbc: {  	v10 =	vld [tilespmem:s25+$0x50];
	v12 =	vmin.f32 v12, v11;
	v7 =	vmax.f32 v7, v11  }
0xbd: {  	v11 =	vld [tilespmem:s25+$0x60];
	v12 =	vmin.f32 v12, v14;
	v7 =	vmax.f32 v7, v14  }
0xbe: {  	v14 =	vld [tilespmem:s25+$0x70];
	v12 =	vmin.f32 v12, v15;
	v7 =	vmax.f32 v7, v15  }
0xbf: {  	v15 =	vld [tilespmem:s25+$0x80];
	v12 =	vmin.f32 v12, v13;
	v7 =	vmax.f32 v7, v13  }
0xc0: {  	v13 =	vld [tilespmem:s25+$0x90];
	v12 =	vmin.f32 v12, v8;
	v7 =	vmax.f32 v7, v8  }
0xc1: {  	v8 =	vld [tilespmem:s25+$0xA0];
	v12 =	vmin.f32 v12, v9;
	v7 =	vmax.f32 v7, v9  }
0xc2: {  	v9 =	vld [tilespmem:s25+$0xB0];
	v12 =	vmin.f32 v12, v10;
	v7 =	vmax.f32 v7, v10  }
0xc3: {  	v10 =	vld [tilespmem:s25+$0xC0];
	v12 =	vmin.f32 v12, v11;
	v7 =	vmax.f32 v7, v11  }
0xc4: {  	v11 =	vld [tilespmem:s25+$0xD0];
	v12 =	vmin.f32 v12, v14;
	v7 =	vmax.f32 v7, v14  }
0xc5: {  	v14 =	vld [tilespmem:s25+$0xE0];
	v12 =	vmin.f32 v12, v15;
	v7 =	vmax.f32 v7, v15  }
0xc6: {  	v15 =	vld [tilespmem:s25+$0xF0];
	_ =	swait.ge [sflag:s19], $0x4240;
	v12 =	vmin.f32 v12, v13;
	v7 =	vmax.f32 v7, v13  }
0xc7: {  	[sflag:s19] =	ssyncset.done $0x0;
	v12 =	vmin.f32 v12, v8;
	v7 =	vmax.f32 v7, v8  }
0xc8: {  	s26 =	simm.s32 $0x0;
	[sflag:s19] =	ssyncadd.s32 $0xFFFFBDC0;
	v8 =	vmin.f32 v12, v9;
	v7 =	vmax.f32 v7, v9  }
0xc9: {  	v8 =	vmin.f32 v8, v10;
	v9 =	vmax.f32 v7, v10;
	v7 =	vld [tilespmem:s26+$0x8000]  }
0xca: {  	v10 =	vmin.f32 v8, v11;
	v9 =	vmax.f32 v9, v11;
	v8 =	vld [tilespmem:s26+$0x8010]  }
0xcb: {  	v10 =	vmin.f32 v10, v14;
	v12 =	vmax.f32 v9, v14;
	v9 =	vld [tilespmem:s26+$0x8020]  }
0xcc: {  	s25 =	simm.s32 $0x100;
	v11 =	vmin.f32 v10, v15;
	v12 =	vmax.f32 v12, v15;
	v10 =	vld [tilespmem:s26+$0x8030]  }
.LBB2_11:
0xcd: {  	p2 =	sne.s32 s25, $0x10800  }
.Ltmp7:
0xce: {  	s26 =	sshra.s32 s25, $0x2;
	s25 =	sadd.s32 $0x100, s25;
	v11 =	vmin.f32 v11, v7;
	v12 =	vmax.f32 v12, v7;
	(pc) =	sbr.rel @p2 .LBB2_11-.Ltmp7, $4  }
0xcf: {  	v7 =	vld [tilespmem:s26+$0x8000];
	v11 =	vmin.f32 v11, v8;
	v12 =	vmax.f32 v12, v8  }
0xd0: {  	v8 =	vld [tilespmem:s26+$0x8010];
	v11 =	vmin.f32 v11, v9;
	v12 =	vmax.f32 v12, v9  }
0xd1: {  	v9 =	vld [tilespmem:s26+$0x8020];
	v11 =	vmin.f32 v11, v10;
	v12 =	vmax.f32 v12, v10  }
0xd2: {  	v10 =	vld [tilespmem:s26+$0x8030]  }
0xd3: {  	_ = 	snop  }
0xd4: {  	v11 =	vmin.f32 v11, v7  }
0xd5: {  	v7 =	vmax.f32 v12, v7;
	v11 =	vmin.f32 v11, v8  }
0xd6: {  	v7 =	vmax.f32 v7, v8;
	v8 =	vmin.f32 v11, v9  }
0xd7: {  	v7 =	vmax.f32 v7, v9;
	v8 =	vmin.f32 v8, v10  }
0xd8: {  	v7 =	vmax.f32 v7, v10;
	[tilespmem:$0x11000] =	vst v8  }
0xd9: {  	[tilespmem:$0x11010] =	vst v7  }
0xda: {  	[spmem:s10] =	stream.linear.scatter [tilespmem:s20], [sflag:$0x3], $0x10, $0x38;
	[tilespmem:$0x11040] =	vst v63  }
0xdb: {  	_ =	swait.ge [sflag:s21], $0x10  }
0xdc: {  	[sflag:s21] =	ssyncset.done $0x0  }
0xdd: {  	[sflag:s21] =	ssyncadd.s32 $0xFFFFFFF0  }
0xde: {  	[spmem:s13] =	stream.linear.scatter [tilespmem:s22], [sflag:$0x3], $0x10, $0x38;
	[tilespmem:$0x11040] =	vst v63  }
0xdf: {  	_ =	swait.ge [sflag:s21], $0x10  }
0xe0: {  	[sflag:s21] =	ssyncset.done $0x0  }
0xe1: {  	[sflag:s21] =	ssyncadd.s32 $0xFFFFFFF0  }
0xe2: {  	[bflag:$0x0] =	sbarrier.arrive $0xFFFF  }
0xe3: {  	[tilespmem:s20], [sflag:$0x3] =	stream.linear.gather [spmem:s11], $0x10, $0x38;
	[tilespmem:$0x11040] =	vst v63  }
0xe4: {  	_ =	swait.ge [sflag:s21], $0x10  }
0xe5: {  	[sflag:s21] =	ssyncset.done $0x0  }
0xe6: {  	[sflag:s21] =	ssyncadd.s32 $0xFFFFFFF0  }
0xe7: {  	[tilespmem:s22], [sflag:$0x3] =	stream.linear.gather [spmem:s14], $0x10, $0x38;
	[tilespmem:$0x11040] =	vst v63  }
0xe8: {  	_ =	swait.ge [sflag:s21], $0x10  }
0xe9: {  	[sflag:s21] =	ssyncset.done $0x0  }
0xea: {  	[sflag:s21] =	ssyncadd.s32 $0xFFFFFFF0  }
0xeb: {  	v9 =	vld [tilespmem:$0x11000]  }
0xec: {  	v10 =	vld [tilespmem:$0x11010];
	_ =	sdelay $0x3  }
0xed: {  	v8 =	vmin.f32 v8, v9  }
0xee: {  	v7 =	vmax.f32 v7, v10;
	[tilespmem:$0x11000] =	vst v8  }
0xef: {  	[tilespmem:$0x11010] =	vst v7  }
0xf0: {  	v9 =	vld.idx.msk [tilespmem:v0+s20+$0x0], $0xffff  }
0xf1: {  	v10 =	vld.idx.msk [tilespmem:v0+s22+$0x0], $0xffff;
	_ =	sdelay $0x3  }
0xf2: {  	v8 =	vmin.f32 v8, v9  }
0xf3: {  	v7 =	vmax.f32 v7, v10;
	[tilespmem:$0x11000] =	vst v8  }
0xf4: {  	[tilespmem:$0x11010] =	vst v7  }
0xf5: {  	v9 =	vld.idx.msk [tilespmem:v1+s20+$0x0], $0xffff  }
0xf6: {  	v10 =	vld.idx.msk [tilespmem:v1+s22+$0x0], $0xffff;
	_ =	sdelay $0x3  }
0xf7: {  	v8 =	vmin.f32 v8, v9  }
0xf8: {  	v7 =	vmax.f32 v7, v10;
	[tilespmem:$0x11000] =	vst v8  }
0xf9: {  	[tilespmem:$0x11010] =	vst v7  }
0xfa: {  	v9 =	vld.idx.msk [tilespmem:v2+s20+$0x0], $0xffff  }
0xfb: {  	v10 =	vld.idx.msk [tilespmem:v2+s22+$0x0], $0xffff;
	_ =	sdelay $0x3  }
0xfc: {  	v8 =	vmin.f32 v8, v9  }
0xfd: {  	v9 =	vmax.f32 v7, v10;
	[tilespmem:$0x11000] =	vst v8  }
0xfe: {  	[tilespmem:$0x11010] =	vst v9  }
0xff: {  	v7 =	vld.idx.msk [tilespmem:v3+s20+$0x0], $0xffff  }
0x100: {  	v10 =	vld.idx.msk [tilespmem:v3+s22+$0x0], $0xffff;
	_ =	sdelay $0x4  }
0x101: {  	v7 =	vmin.f32 v8, v7;
	v8 =	vmax.f32 v9, v10  }
0x102: {  	v9 =	vsub.f32 v8, v7;
	_ =	sdelay $0x1  }
0x103: {  	(erf) = vrcp.f32 v9;
	_ =	sdelay $0x4  }
0x104: {  	v8 =	vsel @!p0 vm0, $0x0, v8  }
0x105: {  	v8 =	vsel @!p0 vm1, v7, v8  }
0x106: {  	s25 =	simm.s32 @!p0 $0x0;
	s26 =	simm.s32 @!p0 $0x11000;
	[tilespmem:$0x11000] =	vst @!p0 v8  }
0x107: {  	[hbm4b:s15+s25] =	stream.linear.scatter @!p0 [tilespmem:s26], [sflag:$0x3], $0x10, $0x38;
	[tilespmem:$0x11040] =	vst v63  }
0x108: {  	s25 =	simm.s32 @!p0 $0x3;
	v8 =	vpop (erf)  }
0x109: {  	_ =	swait.ge @!p0 [sflag:s25], $0x10  }
0x10a: {  	[sflag:s25] =	ssyncset.done @!p0 $0x0  }
0x10b: {  	s26 =	simm.s32 $0x0;
	v8 =	vmul.f32 $2.560000000e+02, v8;
	[sflag:s25] =	ssyncadd.s32 @!p0 $0xFFFFFFF0;
	s25 =	simm.s32 $0x40  }
.LBB2_13:
0x10c: {  	p2 =	sne.s32 s25, $0x3FC0;
	[tilespmem:s26+$0x10000] =	vst v4;
	s26 =	smov.u32 s25;
	s25 =	sadd.s32 $0x40, s25  }
.Ltmp8:
0x10d: {  	(pc) =	sbr.rel @p2 .LBB2_13-.Ltmp8, $2  }
0x10e: {  	_ =	sdelay $0x2  }
0x10f: {  	s26 =	sshra.s32 s26, $0x2  }
0x110: {  	[tilespmem:s26+$0x10000] =	vst v4;
	s25 =	simm.s32 $0x0  }
0x111: {  	[tilespmem:s25], [sflag:$0x1] =	stream.linear.gather [hbm4b:s5+s25], $0x8000, $0x38;
	[tilespmem:$0x11040] =	vst v63  }
0x112: {  	_ = 	snop  }
0x113: {  	[tilespmem:s18], [sflag:$0x2] =	stream.linear.gather [hbm4b:s6+s25], $0x8000, $0x38;
	[tilespmem:$0x11040] =	vst v63  }
.LBB2_15:
0x114: {  	_ =	swait.ge [sflag:s4], $0x8000  }
0x115: {  	[sflag:s4] =	ssyncset.done $0x0  }
0x116: {  	s26 =	simm.s32 $0x40;
	[sflag:s4] =	ssyncadd.s32 $0xFFFF8000  }
0x117: {  	v9 =	vld [tilespmem:s26+$0x30]  }
0x118: {  	v10 =	vld [tilespmem:s26+$0xFFFFFFD0]  }
0x119: {  	v11 =	vld [tilespmem:s26+$0xFFFFFFE0]  }
0x11a: {  	v12 =	vld [tilespmem:s26+$0xFFFFFFF0]  }
0x11b: {  	v13 =	vld [tilespmem:s26+$0x0]  }
0x11c: {  	v14 =	vld [tilespmem:s26+$0x10]  }
0x11d: {  	v15 =	vld [tilespmem:s26+$0x20]  }
0x11e: {  	v16 =	vld [tilespmem:s26+$0xFFFFFFC0];
	v9 =	vsub.f32 v9, v7  }
0x11f: {  	v10 =	vsub.f32 v10, v7;
	v11 =	vsub.f32 v11, v7  }
0x120: {  	v12 =	vsub.f32 v12, v7;
	v13 =	vsub.f32 v13, v7;
	v9 =	vmul.f32 v9, v8  }
0x121: {  	v14 =	vsub.f32 v14, v7;
	v10 =	vmul.f32 v10, v8;
	v11 =	vmul.f32 v11, v8  }
0x122: {  	v15 =	vsub.f32 v15, v7;
	v12 =	vmul.f32 v12, v8;
	v13 =	vmul.f32 v13, v8  }
0x123: {  	v16 =	vsub.f32 v16, v7;
	v14 =	vmul.f32 v14, v8;
	v9 =	vtrunc.f32 v9  }
0x124: {  	v15 =	vmul.f32 v15, v8;
	v9 =	vcvt.f32.s32 v9  }
0x125: {  	v16 =	vmul.f32 v16, v8;
	v10 =	vtrunc.f32 v10  }
0x126: {  	v11 =	vtrunc.f32 v11;
	v12 =	vtrunc.f32 v12;
	vm2 =	vgt.s32 v9, $0x0  }
0x127: {  	v13 =	vtrunc.f32 v13;
	v14 =	vtrunc.f32 v14;
	v9 =	vnsel vm2, $0x0, v9  }
0x128: {  	v16 =	vtrunc.f32 v16;
	v15 =	vtrunc.f32 v15;
	v9 =	vmin.u32 v9, $0xFF  }
0x129: {  	v16 =	vcvt.f32.s32 v16;
	v17 =	vcvt.f32.s32 v10;
	v9 =	vshll.u32 v9, $0x4  }
0x12a: {  	v11 =	vcvt.f32.s32 v11;
	v19 =	vcvt.f32.s32 v12;
	v18 =	vor.u32 v5, v9  }
0x12b: {  	v20 =	vcvt.f32.s32 v13;
	v10 =	vcvt.f32.s32 v15;
	vm3 =	vgt.s32 v16, $0x0  }
0x12c: {  	vm4 =	vgt.s32 v17, $0x0;
	vm5 =	vgt.s32 v11, $0x0;
	vm6 =	vgt.s32 v19, $0x0  }
0x12d: {  	vm7 =	vgt.s32 v20, $0x0;
	v15 =	vnsel vm3, $0x0, v16;
	v9 =	vcvt.f32.s32 v14  }
0x12e: {  	v12 =	vnsel vm4, $0x0, v17;
	vm3 =	vgt.s32 v10, $0x0;
	v13 =	vnsel vm6, $0x0, v19  }
0x12f: {  	s28 =	simm.s32 $0xC0;
	s26 =	simm.s32 $0x0;
	v14 =	vnsel vm5, $0x0, v11;
	v11 =	vnsel vm7, $0x0, v20;
	vm2 =	vgt.s32 v9, $0x0;
	[tilespmem:v18+s23+$0x0] =	vst.idx.add.f32.msk $0xffff, v6  }
.LBB2_16:
0x130: {  	v16 =	vld [tilespmem:s28+$0x30];
	s26 =	sadd.s32 $0x8, s26;
	v15 =	vmin.u32 v15, $0xFF;
	v9 =	vnsel vm2, $0x0, v9;
	v10 =	vnsel vm3, $0x0, v10  }
0x131: {  	v12 =	vmin.u32 v12, $0xFF;
	v14 =	vmin.u32 v14, $0xFF;
	v13 =	vmin.u32 v13, $0xFF;
	v17 =	vld [tilespmem:s28+$0xFFFFFFD0];
	p2 =	slt.u32 s26, $0x7F8  }
0x132: {  	v11 =	vmin.u32 v11, $0xFF;
	v9 =	vmin.u32 v9, $0xFF;
	v10 =	vmin.u32 v10, $0xFF;
	v18 =	vld [tilespmem:s28+$0xFFFFFFE0]  }
0x133: {  	v15 =	vshll.u32 v15, $0x4;
	v12 =	vshll.u32 v12, $0x4;
	v14 =	vshll.u32 v14, $0x4;
	v19 =	vld [tilespmem:s28+$0xFFFFFFF0]  }
0x134: {  	v13 =	vshll.u32 v13, $0x4;
	v11 =	vshll.u32 v11, $0x4;
	v9 =	vshll.u32 v9, $0x4;
	v20 =	vld [tilespmem:s28+$0x0]  }
0x135: {  	v15 =	vor.u32 v5, v15;
	v10 =	vshll.u32 v10, $0x4;
	v21 =	vld [tilespmem:s28+$0x10];
	v16 =	vsub.f32 v16, v7  }
0x136: {  	v12 =	vor.u32 v5, v12;
	v14 =	vor.u32 v5, v14;
	v17 =	vsub.f32 v17, v7;
	v22 =	vld [tilespmem:s28+$0x20]  }
0x137: {  	v13 =	vor.u32 v5, v13;
	v23 =	vld [tilespmem:s28+$0xFFFFFFC0];
	v18 =	vsub.f32 v18, v7;
	v16 =	vmul.f32 v16, v8  }
0x138: {  	v11 =	vor.u32 v5, v11;
	v17 =	vmul.f32 v17, v8;
	v19 =	vsub.f32 v19, v7  }
0x139: {  	v18 =	vmul.f32 v18, v8;
	v20 =	vsub.f32 v20, v7;
	v16 =	vtrunc.f32 v16  }
0x13a: {  	v19 =	vmul.f32 v19, v8;
	v21 =	vsub.f32 v21, v7;
	v16 =	vcvt.f32.s32 v16;
	[tilespmem:v15+s23+$0x0] =	vst.idx.add.f32.msk $0xffff, v6  }
0x13b: {  	v15 =	vtrunc.f32 v17;
	v17 =	vmul.f32 v20, v8;
	v20 =	vsub.f32 v22, v7;
	[tilespmem:v12+s23+$0x0] =	vst.idx.add.f32.msk $0xffff, v6  }
0x13c: {  	v12 =	vsub.f32 v23, v7;
	v21 =	vmul.f32 v21, v8;
	vm2 =	vgt.s32 v16, $0x0;
	[tilespmem:v14+s23+$0x0] =	vst.idx.add.f32.msk $0xffff, v6  }
0x13d: {  	v14 =	vtrunc.f32 v18;
	v18 =	vmul.f32 v20, v8;
	v16 =	vnsel vm2, $0x0, v16;
	[tilespmem:v13+s23+$0x0] =	vst.idx.add.f32.msk $0xffff, v6  }
0x13e: {  	v13 =	vtrunc.f32 v19;
	v12 =	vmul.f32 v12, v8;
	v16 =	vmin.u32 v16, $0xFF;
	[tilespmem:v11+s23+$0x0] =	vst.idx.add.f32.msk $0xffff, v6  }
0x13f: {  	v11 =	vtrunc.f32 v17;
	v17 =	vtrunc.f32 v21;
	v16 =	vshll.u32 v16, $0x4  }
0x140: {  	v18 =	vtrunc.f32 v18;
	v12 =	vtrunc.f32 v12;
	v16 =	vor.u32 v5, v16  }
0x141: {  	v19 =	vcvt.f32.s32 v15;
	v20 =	vor.u32 v5, v9;
	v12 =	vcvt.f32.s32 v12  }
0x142: {  	v14 =	vcvt.f32.s32 v14;
	v13 =	vcvt.f32.s32 v13;
	v21 =	vor.u32 v5, v10  }
.Ltmp9:
0x143: {  	v11 =	vcvt.f32.s32 v11;
	v9 =	vcvt.f32.s32 v17;
	vm3 =	vgt.s32 v12, $0x0;
	(pc) =	sbr.rel @p2 .LBB2_16-.Ltmp9, $4  }
0x144: {  	vm4 =	vgt.s32 v19, $0x0;
	vm5 =	vgt.s32 v14, $0x0;
	v10 =	vcvt.f32.s32 v18  }
0x145: {  	vm6 =	vgt.s32 v13, $0x0;
	vm7 =	vgt.s32 v11, $0x0;
	vm2 =	vgt.s32 v9, $0x0;
	[tilespmem:v16+s23+$0x0] =	vst.idx.add.f32.msk $0xffff, v6  }
0x146: {  	v15 =	vnsel vm3, $0x0, v12;
	v12 =	vnsel vm4, $0x0, v19;
	vm3 =	vgt.s32 v10, $0x0;
	[tilespmem:v20+s23+$0x0] =	vst.idx.add.f32.msk $0xffff, v6  }
0x147: {  	s28 =	sadd.s32 $0x80, s28;
	v14 =	vnsel vm5, $0x0, v14;
	v13 =	vnsel vm6, $0x0, v13;
	v11 =	vnsel vm7, $0x0, v11;
	[tilespmem:v21+s23+$0x0] =	vst.idx.add.f32.msk $0xffff, v6  }
0x148: {  	v15 =	vmin.u32 v15, $0xFF;
	v9 =	vnsel vm2, $0x0, v9  }
0x149: {  	v10 =	vnsel vm3, $0x0, v10;
	v12 =	vmin.u32 v12, $0xFF;
	v15 =	vshll.u32 v15, $0x4  }
0x14a: {  	v14 =	vmin.u32 v14, $0xFF;
	v12 =	vshll.u32 v12, $0x4;
	v15 =	vor.u32 v5, v15  }
0x14b: {  	v13 =	vmin.u32 v13, $0xFF;
	v14 =	vshll.u32 v14, $0x4;
	v12 =	vor.u32 v5, v12  }
0x14c: {  	v11 =	vmin.u32 v11, $0xFF;
	v13 =	vshll.u32 v13, $0x4;
	v14 =	vor.u32 v5, v14  }
0x14d: {  	v9 =	vmin.u32 v9, $0xFF;
	v11 =	vshll.u32 v11, $0x4;
	v13 =	vor.u32 v5, v13  }
0x14e: {  	v10 =	vmin.u32 v10, $0xFF;
	v9 =	vshll.u32 v9, $0x4;
	v11 =	vor.u32 v5, v11  }
0x14f: {  	v10 =	vshll.u32 v10, $0x4;
	v9 =	vor.u32 v5, v9;
	[tilespmem:v15+s23+$0x0] =	vst.idx.add.f32.msk $0xffff, v6  }
0x150: {  	s26 =	sshll.u32 s25, $0x1;
	v10 =	vor.u32 v5, v10;
	[tilespmem:v12+s23+$0x0] =	vst.idx.add.f32.msk $0xffff, v6  }
0x151: {  	s28 =	sadd.s32 s26, s7;
	[tilespmem:v14+s23+$0x0] =	vst.idx.add.f32.msk $0xffff, v6  }
0x152: {  	s28 =	sshll.u32 s28, $0x13;
	[tilespmem:v13+s23+$0x0] =	vst.idx.add.f32.msk $0xffff, v6  }
0x153: {  	s28 =	sadd.s32 s8, s28;
	[tilespmem:v11+s23+$0x0] =	vst.idx.add.f32.msk $0xffff, v6  }
0x154: {  	s28 =	sshrl.u32 s28, $0x3;
	[tilespmem:v9+s23+$0x0] =	vst.idx.add.f32.msk $0xffff, v6  }
0x155: {  	s28 =	sadd.s32 s3, s28;
	[tilespmem:v10+s23+$0x0] =	vst.idx.add.f32.msk $0xffff, v6  }
0x156: {  	[tilespmem:s2], [sflag:$0x1] =	stream.linear.gather [hbm4b:s28+s2], $0x8000, $0x38;
	[tilespmem:$0x11040] =	vst v63  }
0x157: {  	_ =	swait.ge [sflag:s19], $0x8000  }
0x158: {  	[sflag:s19] =	ssyncset.done $0x0  }
0x159: {  	s28 =	simm.s32 $0x8040;
	[sflag:s19] =	ssyncadd.s32 $0xFFFF8000  }
0x15a: {  	v9 =	vld [tilespmem:s28+$0x30]  }
0x15b: {  	v10 =	vld [tilespmem:s28+$0xFFFFFFD0]  }
0x15c: {  	v11 =	vld [tilespmem:s28+$0xFFFFFFE0]  }
0x15d: {  	v12 =	vld [tilespmem:s28+$0xFFFFFFF0]  }
0x15e: {  	v13 =	vld [tilespmem:s28+$0x0]  }
0x15f: {  	v14 =	vld [tilespmem:s28+$0x10]  }
0x160: {  	v15 =	vld [tilespmem:s28+$0x20]  }
0x161: {  	v16 =	vld [tilespmem:s28+$0xFFFFFFC0];
	v9 =	vsub.f32 v9, v7  }
0x162: {  	v10 =	vsub.f32 v10, v7;
	v11 =	vsub.f32 v11, v7  }
0x163: {  	v12 =	vsub.f32 v12, v7;
	v13 =	vsub.f32 v13, v7;
	v9 =	vmul.f32 v9, v8  }
0x164: {  	v14 =	vsub.f32 v14, v7;
	v10 =	vmul.f32 v10, v8;
	v11 =	vmul.f32 v11, v8  }
0x165: {  	v15 =	vsub.f32 v15, v7;
	v12 =	vmul.f32 v12, v8;
	v13 =	vmul.f32 v13, v8  }
0x166: {  	v16 =	vsub.f32 v16, v7;
	v14 =	vmul.f32 v14, v8;
	v9 =	vtrunc.f32 v9  }
0x167: {  	v15 =	vmul.f32 v15, v8;
	v9 =	vcvt.f32.s32 v9  }
0x168: {  	v16 =	vmul.f32 v16, v8;
	v10 =	vtrunc.f32 v10  }
0x169: {  	v11 =	vtrunc.f32 v11;
	v12 =	vtrunc.f32 v12;
	vm2 =	vgt.s32 v9, $0x0  }
0x16a: {  	v13 =	vtrunc.f32 v13;
	v14 =	vtrunc.f32 v14;
	v9 =	vnsel vm2, $0x0, v9  }
0x16b: {  	v16 =	vtrunc.f32 v16;
	v15 =	vtrunc.f32 v15;
	v9 =	vmin.u32 v9, $0xFF  }
0x16c: {  	v16 =	vcvt.f32.s32 v16;
	v17 =	vcvt.f32.s32 v10;
	v9 =	vshll.u32 v9, $0x4  }
0x16d: {  	v11 =	vcvt.f32.s32 v11;
	v19 =	vcvt.f32.s32 v12;
	v18 =	vor.u32 v5, v9  }
0x16e: {  	v20 =	vcvt.f32.s32 v13;
	v10 =	vcvt.f32.s32 v15;
	vm3 =	vgt.s32 v16, $0x0  }
0x16f: {  	vm4 =	vgt.s32 v17, $0x0;
	vm5 =	vgt.s32 v11, $0x0;
	vm6 =	vgt.s32 v19, $0x0  }
0x170: {  	vm7 =	vgt.s32 v20, $0x0;
	v15 =	vnsel vm3, $0x0, v16;
	v9 =	vcvt.f32.s32 v14  }
0x171: {  	v12 =	vnsel vm4, $0x0, v17;
	vm3 =	vgt.s32 v10, $0x0;
	v13 =	vnsel vm6, $0x0, v19  }
0x172: {  	s29 =	simm.s32 $0x80C0;
	s28 =	simm.s32 $0x0;
	v14 =	vnsel vm5, $0x0, v11;
	v11 =	vnsel vm7, $0x0, v20;
	vm2 =	vgt.s32 v9, $0x0;
	[tilespmem:v18+s23+$0x0] =	vst.idx.add.f32.msk $0xffff, v6  }
.LBB2_18:
0x173: {  	v16 =	vld [tilespmem:s29+$0x30];
	s28 =	sadd.s32 $0x8, s28;
	v15 =	vmin.u32 v15, $0xFF;
	v9 =	vnsel vm2, $0x0, v9;
	v10 =	vnsel vm3, $0x0, v10  }
0x174: {  	v12 =	vmin.u32 v12, $0xFF;
	v14 =	vmin.u32 v14, $0xFF;
	v13 =	vmin.u32 v13, $0xFF;
	v17 =	vld [tilespmem:s29+$0xFFFFFFD0];
	p2 =	slt.u32 s28, $0x7F8  }
0x175: {  	v11 =	vmin.u32 v11, $0xFF;
	v9 =	vmin.u32 v9, $0xFF;
	v10 =	vmin.u32 v10, $0xFF;
	v18 =	vld [tilespmem:s29+$0xFFFFFFE0]  }
0x176: {  	v15 =	vshll.u32 v15, $0x4;
	v12 =	vshll.u32 v12, $0x4;
	v14 =	vshll.u32 v14, $0x4;
	v19 =	vld [tilespmem:s29+$0xFFFFFFF0]  }
0x177: {  	v13 =	vshll.u32 v13, $0x4;
	v11 =	vshll.u32 v11, $0x4;
	v9 =	vshll.u32 v9, $0x4;
	v20 =	vld [tilespmem:s29+$0x0]  }
0x178: {  	v15 =	vor.u32 v5, v15;
	v10 =	vshll.u32 v10, $0x4;
	v21 =	vld [tilespmem:s29+$0x10];
	v16 =	vsub.f32 v16, v7  }
0x179: {  	v12 =	vor.u32 v5, v12;
	v14 =	vor.u32 v5, v14;
	v17 =	vsub.f32 v17, v7;
	v22 =	vld [tilespmem:s29+$0x20]  }
0x17a: {  	v13 =	vor.u32 v5, v13;
	v23 =	vld [tilespmem:s29+$0xFFFFFFC0];
	v18 =	vsub.f32 v18, v7;
	v16 =	vmul.f32 v16, v8  }
0x17b: {  	v11 =	vor.u32 v5, v11;
	v17 =	vmul.f32 v17, v8;
	v19 =	vsub.f32 v19, v7  }
0x17c: {  	v18 =	vmul.f32 v18, v8;
	v20 =	vsub.f32 v20, v7;
	v16 =	vtrunc.f32 v16  }
0x17d: {  	v19 =	vmul.f32 v19, v8;
	v21 =	vsub.f32 v21, v7;
	v16 =	vcvt.f32.s32 v16;
	[tilespmem:v15+s23+$0x0] =	vst.idx.add.f32.msk $0xffff, v6  }
0x17e: {  	v15 =	vtrunc.f32 v17;
	v17 =	vmul.f32 v20, v8;
	v20 =	vsub.f32 v22, v7;
	[tilespmem:v12+s23+$0x0] =	vst.idx.add.f32.msk $0xffff, v6  }
0x17f: {  	v12 =	vsub.f32 v23, v7;
	v21 =	vmul.f32 v21, v8;
	vm2 =	vgt.s32 v16, $0x0;
	[tilespmem:v14+s23+$0x0] =	vst.idx.add.f32.msk $0xffff, v6  }
0x180: {  	v14 =	vtrunc.f32 v18;
	v18 =	vmul.f32 v20, v8;
	v16 =	vnsel vm2, $0x0, v16;
	[tilespmem:v13+s23+$0x0] =	vst.idx.add.f32.msk $0xffff, v6  }
0x181: {  	v13 =	vtrunc.f32 v19;
	v12 =	vmul.f32 v12, v8;
	v16 =	vmin.u32 v16, $0xFF;
	[tilespmem:v11+s23+$0x0] =	vst.idx.add.f32.msk $0xffff, v6  }
0x182: {  	v11 =	vtrunc.f32 v17;
	v17 =	vtrunc.f32 v21;
	v16 =	vshll.u32 v16, $0x4  }
0x183: {  	v18 =	vtrunc.f32 v18;
	v12 =	vtrunc.f32 v12;
	v16 =	vor.u32 v5, v16  }
0x184: {  	v19 =	vcvt.f32.s32 v15;
	v20 =	vor.u32 v5, v9;
	v12 =	vcvt.f32.s32 v12  }
0x185: {  	v14 =	vcvt.f32.s32 v14;
	v13 =	vcvt.f32.s32 v13;
	v21 =	vor.u32 v5, v10  }
.Ltmp10:
0x186: {  	v11 =	vcvt.f32.s32 v11;
	v9 =	vcvt.f32.s32 v17;
	vm3 =	vgt.s32 v12, $0x0;
	(pc) =	sbr.rel @p2 .LBB2_18-.Ltmp10, $4  }
0x187: {  	vm4 =	vgt.s32 v19, $0x0;
	vm5 =	vgt.s32 v14, $0x0;
	v10 =	vcvt.f32.s32 v18  }
0x188: {  	vm6 =	vgt.s32 v13, $0x0;
	vm7 =	vgt.s32 v11, $0x0;
	vm2 =	vgt.s32 v9, $0x0;
	[tilespmem:v16+s23+$0x0] =	vst.idx.add.f32.msk $0xffff, v6  }
0x189: {  	v15 =	vnsel vm3, $0x0, v12;
	v12 =	vnsel vm4, $0x0, v19;
	vm3 =	vgt.s32 v10, $0x0;
	[tilespmem:v20+s23+$0x0] =	vst.idx.add.f32.msk $0xffff, v6  }
0x18a: {  	s29 =	sadd.s32 $0x80, s29;
	v14 =	vnsel vm5, $0x0, v14;
	v13 =	vnsel vm6, $0x0, v13;
	v11 =	vnsel vm7, $0x0, v11;
	[tilespmem:v21+s23+$0x0] =	vst.idx.add.f32.msk $0xffff, v6  }
0x18b: {  	v15 =	vmin.u32 v15, $0xFF;
	v9 =	vnsel vm2, $0x0, v9  }
0x18c: {  	v10 =	vnsel vm3, $0x0, v10;
	v12 =	vmin.u32 v12, $0xFF;
	v15 =	vshll.u32 v15, $0x4  }
0x18d: {  	v14 =	vmin.u32 v14, $0xFF;
	v12 =	vshll.u32 v12, $0x4;
	v15 =	vor.u32 v5, v15  }
0x18e: {  	v13 =	vmin.u32 v13, $0xFF;
	v14 =	vshll.u32 v14, $0x4;
	v12 =	vor.u32 v5, v12  }
0x18f: {  	v11 =	vmin.u32 v11, $0xFF;
	v13 =	vshll.u32 v13, $0x4;
	v14 =	vor.u32 v5, v14  }
0x190: {  	v9 =	vmin.u32 v9, $0xFF;
	v11 =	vshll.u32 v11, $0x4;
	v13 =	vor.u32 v5, v13  }
0x191: {  	v10 =	vmin.u32 v10, $0xFF;
	v9 =	vshll.u32 v9, $0x4;
	v11 =	vor.u32 v5, v11  }
0x192: {  	v10 =	vshll.u32 v10, $0x4;
	v9 =	vor.u32 v5, v9;
	[tilespmem:v15+s23+$0x0] =	vst.idx.add.f32.msk $0xffff, v6  }
0x193: {  	p2 =	seq.s32 s25, $0x6;
	v10 =	vor.u32 v5, v10;
	[tilespmem:v12+s23+$0x0] =	vst.idx.add.f32.msk $0xffff, v6  }
.Ltmp11:
0x194: {  	[tilespmem:v14+s23+$0x0] =	vst.idx.add.f32.msk $0xffff, v6;
	(pc) =	sbr.rel @p2 .LBB2_21-.Ltmp11, $4  }
0x195: {  	[tilespmem:v13+s23+$0x0] =	vst.idx.add.f32.msk $0xffff, v6  }
0x196: {  	[tilespmem:v11+s23+$0x0] =	vst.idx.add.f32.msk $0xffff, v6  }
0x197: {  	[tilespmem:v9+s23+$0x0] =	vst.idx.add.f32.msk $0xffff, v6  }
0x198: {  	[tilespmem:v10+s23+$0x0] =	vst.idx.add.f32.msk $0xffff, v6  }
0x199: {  	s26 =	sadd.s32 s26, s9  }
.Ltmp12:
0x19a: {  	s26 =	sshll.u32 s26, $0x13;
	(pc) =	sbr.rel .LBB2_15-.Ltmp12, $4  }
0x19b: {  	s26 =	sadd.s32 s8, s26  }
0x19c: {  	s26 =	sshrl.u32 s26, $0x3  }
0x19d: {  	s25 =	sadd.s32 $0x1, s25;
	s26 =	sadd.s32 s3, s26  }
0x19e: {  	[tilespmem:s18], [sflag:$0x2] =	stream.linear.gather [hbm4b:s26+s2], $0x8000, $0x38;
	[tilespmem:$0x11040] =	vst v63  }
.LBB2_21:
0x19f: {  	_ =	swait.ge [sflag:s4], $0x8000  }
0x1a0: {  	[sflag:s4] =	ssyncset.done $0x0  }
0x1a1: {  	s25 =	simm.s32 $0x40;
	[sflag:s4] =	ssyncadd.s32 $0xFFFF8000  }
0x1a2: {  	[tilespmem:s18], [sflag:$0x2] =	stream.linear.gather [hbm4b:s12+s2], $0x4240, $0x38;
	[tilespmem:$0x11040] =	vst v63  }
0x1a3: {  	v9 =	vld [tilespmem:s25+$0x30]  }
0x1a4: {  	v10 =	vld [tilespmem:s25+$0xFFFFFFD0]  }
0x1a5: {  	v11 =	vld [tilespmem:s25+$0xFFFFFFE0]  }
0x1a6: {  	v12 =	vld [tilespmem:s25+$0xFFFFFFF0]  }
0x1a7: {  	v13 =	vld [tilespmem:s25+$0x0]  }
0x1a8: {  	v14 =	vld [tilespmem:s25+$0x10]  }
0x1a9: {  	v15 =	vld [tilespmem:s25+$0x20]  }
0x1aa: {  	v16 =	vld [tilespmem:s25+$0xFFFFFFC0];
	v9 =	vsub.f32 v9, v7  }
0x1ab: {  	v10 =	vsub.f32 v10, v7;
	v11 =	vsub.f32 v11, v7  }
0x1ac: {  	v12 =	vsub.f32 v12, v7;
	v13 =	vsub.f32 v13, v7;
	v9 =	vmul.f32 v9, v8  }
0x1ad: {  	v14 =	vsub.f32 v14, v7;
	v10 =	vmul.f32 v10, v8;
	v11 =	vmul.f32 v11, v8  }
0x1ae: {  	v15 =	vsub.f32 v15, v7;
	v12 =	vmul.f32 v12, v8;
	v13 =	vmul.f32 v13, v8  }
0x1af: {  	v16 =	vsub.f32 v16, v7;
	v14 =	vmul.f32 v14, v8;
	v9 =	vtrunc.f32 v9  }
0x1b0: {  	v15 =	vmul.f32 v15, v8;
	v9 =	vcvt.f32.s32 v9  }
0x1b1: {  	v16 =	vmul.f32 v16, v8;
	v10 =	vtrunc.f32 v10  }
0x1b2: {  	v11 =	vtrunc.f32 v11;
	v12 =	vtrunc.f32 v12;
	vm2 =	vgt.s32 v9, $0x0  }
0x1b3: {  	v13 =	vtrunc.f32 v13;
	v14 =	vtrunc.f32 v14;
	v9 =	vnsel vm2, $0x0, v9  }
0x1b4: {  	v16 =	vtrunc.f32 v16;
	v15 =	vtrunc.f32 v15;
	v9 =	vmin.u32 v9, $0xFF  }
0x1b5: {  	v16 =	vcvt.f32.s32 v16;
	v17 =	vcvt.f32.s32 v10;
	v9 =	vshll.u32 v9, $0x4  }
0x1b6: {  	v11 =	vcvt.f32.s32 v11;
	v19 =	vcvt.f32.s32 v12;
	v18 =	vor.u32 v5, v9  }
0x1b7: {  	v20 =	vcvt.f32.s32 v13;
	v10 =	vcvt.f32.s32 v15;
	vm3 =	vgt.s32 v16, $0x0  }
0x1b8: {  	vm4 =	vgt.s32 v17, $0x0;
	vm5 =	vgt.s32 v11, $0x0;
	vm6 =	vgt.s32 v19, $0x0  }
0x1b9: {  	vm7 =	vgt.s32 v20, $0x0;
	v15 =	vnsel vm3, $0x0, v16;
	v9 =	vcvt.f32.s32 v14  }
0x1ba: {  	v12 =	vnsel vm4, $0x0, v17;
	vm3 =	vgt.s32 v10, $0x0;
	v13 =	vnsel vm6, $0x0, v19  }
0x1bb: {  	s26 =	simm.s32 $0xC0;
	s25 =	simm.s32 $0x0;
	v14 =	vnsel vm5, $0x0, v11;
	v11 =	vnsel vm7, $0x0, v20;
	vm2 =	vgt.s32 v9, $0x0;
	[tilespmem:v18+s23+$0x0] =	vst.idx.add.f32.msk $0xffff, v6  }
.LBB2_22:
0x1bc: {  	v16 =	vld [tilespmem:s26+$0x30];
	s25 =	sadd.s32 $0x8, s25;
	v15 =	vmin.u32 v15, $0xFF;
	v9 =	vnsel vm2, $0x0, v9;
	v10 =	vnsel vm3, $0x0, v10  }
0x1bd: {  	v12 =	vmin.u32 v12, $0xFF;
	v14 =	vmin.u32 v14, $0xFF;
	v13 =	vmin.u32 v13, $0xFF;
	v17 =	vld [tilespmem:s26+$0xFFFFFFD0];
	p2 =	slt.u32 s25, $0x7F8  }
0x1be: {  	v11 =	vmin.u32 v11, $0xFF;
	v9 =	vmin.u32 v9, $0xFF;
	v10 =	vmin.u32 v10, $0xFF;
	v18 =	vld [tilespmem:s26+$0xFFFFFFE0]  }
0x1bf: {  	v15 =	vshll.u32 v15, $0x4;
	v12 =	vshll.u32 v12, $0x4;
	v14 =	vshll.u32 v14, $0x4;
	v19 =	vld [tilespmem:s26+$0xFFFFFFF0]  }
0x1c0: {  	v13 =	vshll.u32 v13, $0x4;
	v11 =	vshll.u32 v11, $0x4;
	v9 =	vshll.u32 v9, $0x4;
	v20 =	vld [tilespmem:s26+$0x0]  }
0x1c1: {  	v15 =	vor.u32 v5, v15;
	v10 =	vshll.u32 v10, $0x4;
	v21 =	vld [tilespmem:s26+$0x10];
	v16 =	vsub.f32 v16, v7  }
0x1c2: {  	v12 =	vor.u32 v5, v12;
	v14 =	vor.u32 v5, v14;
	v17 =	vsub.f32 v17, v7;
	v22 =	vld [tilespmem:s26+$0x20]  }
0x1c3: {  	v13 =	vor.u32 v5, v13;
	v23 =	vld [tilespmem:s26+$0xFFFFFFC0];
	v18 =	vsub.f32 v18, v7;
	v16 =	vmul.f32 v16, v8  }
0x1c4: {  	v11 =	vor.u32 v5, v11;
	v17 =	vmul.f32 v17, v8;
	v19 =	vsub.f32 v19, v7  }
0x1c5: {  	v18 =	vmul.f32 v18, v8;
	v20 =	vsub.f32 v20, v7;
	v16 =	vtrunc.f32 v16  }
0x1c6: {  	v19 =	vmul.f32 v19, v8;
	v21 =	vsub.f32 v21, v7;
	v16 =	vcvt.f32.s32 v16;
	[tilespmem:v15+s23+$0x0] =	vst.idx.add.f32.msk $0xffff, v6  }
0x1c7: {  	v15 =	vtrunc.f32 v17;
	v17 =	vmul.f32 v20, v8;
	v20 =	vsub.f32 v22, v7;
	[tilespmem:v12+s23+$0x0] =	vst.idx.add.f32.msk $0xffff, v6  }
0x1c8: {  	v12 =	vsub.f32 v23, v7;
	v21 =	vmul.f32 v21, v8;
	vm2 =	vgt.s32 v16, $0x0;
	[tilespmem:v14+s23+$0x0] =	vst.idx.add.f32.msk $0xffff, v6  }
0x1c9: {  	v14 =	vtrunc.f32 v18;
	v18 =	vmul.f32 v20, v8;
	v16 =	vnsel vm2, $0x0, v16;
	[tilespmem:v13+s23+$0x0] =	vst.idx.add.f32.msk $0xffff, v6  }
0x1ca: {  	v13 =	vtrunc.f32 v19;
	v12 =	vmul.f32 v12, v8;
	v16 =	vmin.u32 v16, $0xFF;
	[tilespmem:v11+s23+$0x0] =	vst.idx.add.f32.msk $0xffff, v6  }
0x1cb: {  	v11 =	vtrunc.f32 v17;
	v17 =	vtrunc.f32 v21;
	v16 =	vshll.u32 v16, $0x4  }
0x1cc: {  	v18 =	vtrunc.f32 v18;
	v12 =	vtrunc.f32 v12;
	v16 =	vor.u32 v5, v16  }
0x1cd: {  	v19 =	vcvt.f32.s32 v15;
	v20 =	vor.u32 v5, v9;
	v12 =	vcvt.f32.s32 v12  }
0x1ce: {  	v14 =	vcvt.f32.s32 v14;
	v13 =	vcvt.f32.s32 v13;
	v21 =	vor.u32 v5, v10  }
.Ltmp13:
0x1cf: {  	v11 =	vcvt.f32.s32 v11;
	v9 =	vcvt.f32.s32 v17;
	vm3 =	vgt.s32 v12, $0x0;
	(pc) =	sbr.rel @p2 .LBB2_22-.Ltmp13, $4  }
0x1d0: {  	vm4 =	vgt.s32 v19, $0x0;
	vm5 =	vgt.s32 v14, $0x0;
	v10 =	vcvt.f32.s32 v18  }
0x1d1: {  	vm6 =	vgt.s32 v13, $0x0;
	vm7 =	vgt.s32 v11, $0x0;
	vm2 =	vgt.s32 v9, $0x0;
	[tilespmem:v16+s23+$0x0] =	vst.idx.add.f32.msk $0xffff, v6  }
0x1d2: {  	v15 =	vnsel vm3, $0x0, v12;
	v12 =	vnsel vm4, $0x0, v19;
	vm3 =	vgt.s32 v10, $0x0;
	[tilespmem:v20+s23+$0x0] =	vst.idx.add.f32.msk $0xffff, v6  }
0x1d3: {  	s26 =	sadd.s32 $0x80, s26;
	v14 =	vnsel vm5, $0x0, v14;
	v13 =	vnsel vm6, $0x0, v13;
	v11 =	vnsel vm7, $0x0, v11;
	[tilespmem:v21+s23+$0x0] =	vst.idx.add.f32.msk $0xffff, v6  }
0x1d4: {  	v15 =	vmin.u32 v15, $0xFF;
	v9 =	vnsel vm2, $0x0, v9  }
0x1d5: {  	v10 =	vnsel vm3, $0x0, v10;
	v12 =	vmin.u32 v12, $0xFF;
	v15 =	vshll.u32 v15, $0x4  }
0x1d6: {  	v14 =	vmin.u32 v14, $0xFF;
	v12 =	vshll.u32 v12, $0x4;
	v15 =	vor.u32 v5, v15  }
0x1d7: {  	v13 =	vmin.u32 v13, $0xFF;
	v14 =	vshll.u32 v14, $0x4;
	v12 =	vor.u32 v5, v12  }
0x1d8: {  	v11 =	vmin.u32 v11, $0xFF;
	v13 =	vshll.u32 v13, $0x4;
	v14 =	vor.u32 v5, v14  }
0x1d9: {  	v9 =	vmin.u32 v9, $0xFF;
	v11 =	vshll.u32 v11, $0x4;
	v13 =	vor.u32 v5, v13  }
0x1da: {  	v10 =	vmin.u32 v10, $0xFF;
	v9 =	vshll.u32 v9, $0x4;
	v11 =	vor.u32 v5, v11  }
0x1db: {  	v10 =	vshll.u32 v10, $0x4;
	v9 =	vor.u32 v5, v9;
	[tilespmem:v15+s23+$0x0] =	vst.idx.add.f32.msk $0xffff, v6  }
0x1dc: {  	v10 =	vor.u32 v5, v10;
	[tilespmem:v12+s23+$0x0] =	vst.idx.add.f32.msk $0xffff, v6  }
0x1dd: {  	[tilespmem:v14+s23+$0x0] =	vst.idx.add.f32.msk $0xffff, v6  }
0x1de: {  	[tilespmem:v13+s23+$0x0] =	vst.idx.add.f32.msk $0xffff, v6  }
0x1df: {  	[tilespmem:v11+s23+$0x0] =	vst.idx.add.f32.msk $0xffff, v6  }
.Ltmp14:
0x1e0: {  	[tilespmem:v9+s23+$0x0] =	vst.idx.add.f32.msk $0xffff, v6;
	(pc) =	sbr.rel @p1 .LBB2_27-.Ltmp14, $4  }
0x1e1: {  	[tilespmem:v10+s23+$0x0] =	vst.idx.add.f32.msk $0xffff, v6  }
0x1e2: {  	_ =	swait.ge [sflag:s19], $0x4240  }
0x1e3: {  	[sflag:s19] =	ssyncset.done $0x0  }
0x1e4: {  	[sflag:s19] =	ssyncadd.s32 $0xFFFFBDC0  }
0x1e5: {  	s25 =	simm.s32 $0x8020  }
0x1e6: {  	v9 =	vld [tilespmem:s25+$0x10]  }
0x1e7: {  	v10 =	vld [tilespmem:s25+$0xFFFFFFF0]  }
0x1e8: {  	v11 =	vld [tilespmem:s25+$0x0]  }
0x1e9: {  	v12 =	vld [tilespmem:s25+$0xFFFFFFE0];
	_ =	sdelay $0x2  }
0x1ea: {  	v9 =	vsub.f32 v9, v7  }
0x1eb: {  	v10 =	vsub.f32 v10, v7;
	v11 =	vsub.f32 v11, v7  }
0x1ec: {  	v12 =	vsub.f32 v12, v7;
	v9 =	vmul.f32 v9, v8  }
0x1ed: {  	v10 =	vmul.f32 v10, v8;
	v11 =	vmul.f32 v11, v8  }
0x1ee: {  	v12 =	vmul.f32 v12, v8;
	v9 =	vtrunc.f32 v9  }
0x1ef: {  	v10 =	vtrunc.f32 v10;
	v11 =	vtrunc.f32 v11  }
0x1f0: {  	s31 =	simm.s32 $0x8060;
	v12 =	vtrunc.f32 v12;
	v9 =	vcvt.f32.s32 v9  }
0x1f1: {  	v13 =	vld [tilespmem:s31+$0x10];
	v12 =	vcvt.f32.s32 v12;
	v11 =	vcvt.f32.s32 v11  }
0x1f2: {  	v14 =	vld [tilespmem:s31+$0xFFFFFFF0];
	v10 =	vcvt.f32.s32 v10;
	vm2 =	vgt.s32 v9, $0x0  }
0x1f3: {  	v15 =	vld [tilespmem:s31+$0x0];
	vm3 =	vgt.s32 v12, $0x0;
	vm4 =	vgt.s32 v11, $0x0;
	v9 =	vnsel vm2, $0x0, v9  }
0x1f4: {  	v16 =	vld [tilespmem:s31+$0xFFFFFFE0];
	vm2 =	vgt.s32 v10, $0x0;
	v12 =	vnsel vm3, $0x0, v12;
	v9 =	vmin.u32 v9, $0xFF  }
0x1f5: {  	v11 =	vnsel vm4, $0x0, v11;
	v10 =	vnsel vm2, $0x0, v10;
	v9 =	vshll.u32 v9, $0x4  }
0x1f6: {  	v12 =	vmin.u32 v12, $0xFF;
	v17 =	vor.u32 v5, v9;
	v9 =	vsub.f32 v13, v7  }
0x1f7: {  	v11 =	vmin.u32 v11, $0xFF;
	v10 =	vmin.u32 v10, $0xFF;
	v13 =	vsub.f32 v14, v7  }
0x1f8: {  	v11 =	vshll.u32 v11, $0x4;
	v14 =	vsub.f32 v15, v7;
	v9 =	vmul.f32 v9, v8  }
0x1f9: {  	v15 =	vshll.u32 v12, $0x4;
	v12 =	vsub.f32 v16, v7;
	v16 =	vmul.f32 v13, v8  }
0x1fa: {  	v10 =	vshll.u32 v10, $0x4;
	v14 =	vmul.f32 v14, v8;
	v9 =	vtrunc.f32 v9  }
0x1fb: {  	v10 =	vor.u32 v5, v10;
	v13 =	vmul.f32 v12, v8;
	v12 =	vcvt.f32.s32 v9  }
0x1fc: {  	s26 =	simm.s32 $0x80A0;
	s25 =	simm.s32 $0x4;
	v14 =	vtrunc.f32 v14;
	v9 =	vor.u32 v5, v15;
	[tilespmem:v17+s23+$0x0] =	vst.idx.add.f32.msk $0xffff, v6;
	v15 =	vtrunc.f32 v16  }
.LBB2_25:
0x1fd: {  	v16 =	vld [tilespmem:s26+$0x10];
	s25 =	sadd.s32 $0x4, s25;
	v13 =	vtrunc.f32 v13;
	v15 =	vcvt.f32.s32 v15;
	vm2 =	vgt.s32 v12, $0x0  }
0x1fe: {  	v14 =	vcvt.f32.s32 v14;
	v17 =	vld [tilespmem:s26+$0xFFFFFFF0];
	p2 =	slt.u32 s25, $0x420;
	v13 =	vcvt.f32.s32 v13;
	v12 =	vnsel vm2, $0x0, v12  }
0x1ff: {  	v11 =	vor.u32 v5, v11;
	v18 =	vld [tilespmem:s26+$0x0];
	vm2 =	vgt.s32 v15, $0x0;
	v12 =	vmin.u32 v12, $0xFF  }
0x200: {  	vm4 =	vgt.s32 v14, $0x0;
	v19 =	vld [tilespmem:s26+$0xFFFFFFE0];
	vm3 =	vgt.s32 v13, $0x0;
	v12 =	vshll.u32 v12, $0x4  }
0x201: {  	v15 =	vnsel vm2, $0x0, v15;
	v13 =	vnsel vm3, $0x0, v13;
	v12 =	vor.u32 v5, v12;
	[tilespmem:v9+s23+$0x0] =	vst.idx.add.f32.msk $0xffff, v6  }
0x202: {  	v14 =	vnsel vm4, $0x0, v14;
	v9 =	vsub.f32 v16, v7;
	v13 =	vmin.u32 v13, $0xFF;
	[tilespmem:v10+s23+$0x0] =	vst.idx.add.f32.msk $0xffff, v6  }
0x203: {  	v15 =	vmin.u32 v15, $0xFF;
	v14 =	vmin.u32 v14, $0xFF;
	v10 =	vsub.f32 v17, v7  }
.Ltmp15:
0x204: {  	v17 =	vshll.u32 v13, $0x4;
	v16 =	vsub.f32 v18, v7;
	v9 =	vmul.f32 v9, v8;
	[tilespmem:v11+s23+$0x0] =	vst.idx.add.f32.msk $0xffff, v6;
	(pc) =	sbr.rel @p2 .LBB2_25-.Ltmp15, $4  }
0x205: {  	v18 =	vshll.u32 v15, $0x4;
	v13 =	vsub.f32 v19, v7;
	v10 =	vmul.f32 v10, v8  }
0x206: {  	v11 =	vshll.u32 v14, $0x4;
	v16 =	vmul.f32 v16, v8;
	v9 =	vtrunc.f32 v9;
	[tilespmem:v12+s23+$0x0] =	vst.idx.add.f32.msk $0xffff, v6  }
0x207: {  	v13 =	vmul.f32 v13, v8;
	v12 =	vcvt.f32.s32 v9;
	v9 =	vor.u32 v5, v17  }
0x208: {  	s26 =	sadd.s32 $0x40, s26;
	v15 =	vtrunc.f32 v10;
	v10 =	vor.u32 v5, v18;
	v14 =	vtrunc.f32 v16  }
0x209: {  	v7 =	vtrunc.f32 v13  }
0x20a: {  	v8 =	vcvt.f32.s32 v15;
	vm2 =	vgt.s32 v12, $0x0;
	v62 =	vcvt.f32.s32 v14  }
0x20b: {  	v11 =	vor.u32 v5, v11;
	v7 =	vcvt.f32.s32 v7;
	v12 =	vnsel vm2, $0x0, v12  }
0x20c: {  	vm2 =	vgt.s32 v8, $0x0;
	v12 =	vmin.u32 v12, $0xFF;
	vm4 =	vgt.s32 v62, $0x0  }
0x20d: {  	vm3 =	vgt.s32 v7, $0x0;
	v12 =	vshll.u32 v12, $0x4;
	v8 =	vnsel vm2, $0x0, v8  }
0x20e: {  	v13 =	vnsel vm4, $0x0, v62;
	v7 =	vnsel vm3, $0x0, v7;
	v8 =	vmin.u32 v8, $0xFF  }
0x20f: {  	v12 =	vor.u32 v5, v12;
	v13 =	vmin.u32 v13, $0xFF;
	v8 =	vshll.u32 v8, $0x4  }
0x210: {  	v7 =	vmin.u32 v7, $0xFF;
	v63 =	vshll.u32 v13, $0x4;
	v8 =	vor.u32 v5, v8  }
0x211: {  	[tilespmem:v9+s23+$0x0] =	vst.idx.add.f32.msk $0xffff, v6;
	v7 =	vshll.u32 v7, $0x4;
	v9 =	vor.u32 v5, v63  }
0x212: {  	[tilespmem:v10+s23+$0x0] =	vst.idx.add.f32.msk $0xffff, v6;
	v7 =	vor.u32 v5, v7  }
.Ltmp16:
0x213: {  	[tilespmem:v11+s23+$0x0] =	vst.idx.add.f32.msk $0xffff, v6;
	(pc) =	sbr.rel .LBB2_27-.Ltmp16, $4  }
0x214: {  	[tilespmem:v12+s23+$0x0] =	vst.idx.add.f32.msk $0xffff, v6  }
0x215: {  	[tilespmem:v8+s23+$0x0] =	vst.idx.add.f32.msk $0xffff, v6  }
0x216: {  	[tilespmem:v9+s23+$0x0] =	vst.idx.add.f32.msk $0xffff, v6  }
0x217: {  	[tilespmem:v7+s23+$0x0] =	vst.idx.add.f32.msk $0xffff, v6  }
.LBB2_28:
0x218: {  	_ =	sfence.sel $0x180000  }
0x219: {  	[bflag:$0x0] =	sbarrier.arrive $0xFFFF  }
0x21a: {  	p0 =	sne.s32 s0, $0x0;
	_ =	strace $0x90000047  }
0x21b: {  	s0 =	sadd.s32 @!p0 $0x100000, s1;
	[bflag:$0x2] =	sbarrier.arrive $0xFFFF  }
0x21c: {  	[sflag:s0] =	ssyncadd.tile.s32 @!p0 $0x1;
	_ =	shalt  }
.Lfunc_end2:
_tile_overlayer_lowered:
.L_overlay_start_2:
0x21d: {  	(tag) =	ssettag $0x2  }
0x21e: {  	s0 =	rddreg [dreg:$0x0];
	s2 =	stileid.u32  }
0x21f: {  	s1 =	rddreg [dreg:$0x1];
	p0 =	sne.s32 s2, $0x0  }
0x220: {  	s3 =	rddreg [dreg:$0x2];
	[bflag:$0x3] =	sbarrier.arrive $0xFFFF;
	s2 =	simm.s32 @!p0 $0x1C03  }
0x221: {  	[timem:s3], [sflag:s2] =	dma.local @!p0 [hbm:s0], s1  }
0x222: {  	s0 =	simm.s32 @!p0 $0x3  }
0x223: {  	_ =	swait.ge @!p0 [sflag:s0], s1  }
0x224: {  	s1 =	ssub.s32 @!p0 $0x0, s1;
	[sflag:s0] =	ssyncset.done @!p0 $0x0  }
0x225: {  	[sflag:s0] =	ssyncadd.s32 @!p0 s1  }
0x226: {  	[bflag:$0x3] =	sbarrier.arrive $0xFFFF  }
0x227: {  	_ =	shalt  }

</sc_bundles>
